<compile_context>
chip_gen: v7x
topology: tpu7x:2x2x1
jax: 0.10.2.dev20260603
libtpu: 0.0.44.dev20260713+nightly
codegen_flags: <defaults>
</compile_context>

<pallas_src>
import functools

import jax
import jax.numpy as jnp
from jax import lax
from jax.experimental import pallas as pl
from jax.experimental.pallas import tpu as pltpu
from jax.experimental.pallas import tpu_sc as plsc

NC = 2
NS = 16
NW = NC * NS
CHUNK = 128


def _gather_body(chunk_base, bpw, depth,
                 uidx, midx, utab, mtab, uout, mout, idx_v, rows_v, gsem, wsem):
    nch = bpw // CHUNK
    wid = lax.axis_index("s") * NC + lax.axis_index("c")
    base = wid * bpw

    pltpu.sync_copy(uidx.at[pl.ds(chunk_base + base, bpw)], idx_v.at[0])
    pltpu.sync_copy(midx.at[pl.ds(chunk_base + base, bpw)], idx_v.at[1])

    tasks = [(t, j, tab, out)
             for t, (tab, out) in enumerate(((utab, uout), (mtab, mout)))
             for j in range(nch)]
    n = len(tasks)

    def fire_gather(k):
        t, j, tab, _ = tasks[k]
        return pltpu.async_copy(
            tab.at[idx_v.at[t, pl.ds(j * CHUNK, CHUNK)]],
            rows_v.at[k % depth], gsem.at[k % depth])

    gathers = [None] * n
    writes = [None] * n
    for k in range(min(depth, n)):
        gathers[k] = fire_gather(k)
    for k in range(n):
        t, j, _, out = tasks[k]
        gathers[k].wait()
        writes[k] = pltpu.async_copy(
            rows_v.at[k % depth],
            out.at[pl.ds(base + j * CHUNK, CHUNK)], wsem.at[k % depth])
        kn = k + depth
        if kn < n:
            writes[k].wait()
            gathers[kn] = fire_gather(kn)
    for k in range(max(0, n - depth), n):
        writes[k].wait()


def _mlp_body(aliased, xu_hbm, xm_hbm, w1_ref, b1_ref, w2_ref, b2_ref, w3_ref,
              b3_ref, *rest):
    if aliased:
        rest = rest[1:]
    out_ref, xu_buf, xm_buf, usem, msem = rest
    i = pl.program_id(0)
    nsteps = pl.num_programs(0)
    nbuf, BLK, D = xu_buf.shape[0], xu_buf.shape[1], xu_buf.shape[2]
    pf = nbuf - 1

    H = BLK // 2

    def copies(step, slot):
        return (
            pltpu.make_async_copy(xu_hbm.at[pl.ds(step * BLK, H)],
                                  xu_buf.at[slot, pl.ds(0, H)],
                                  usem.at[slot, 0]),
            pltpu.make_async_copy(xu_hbm.at[pl.ds(step * BLK + H, H)],
                                  xu_buf.at[slot, pl.ds(H, H)],
                                  usem.at[slot, 1]),
            pltpu.make_async_copy(xm_hbm.at[pl.ds(step * BLK, H)],
                                  xm_buf.at[slot, pl.ds(0, H)],
                                  msem.at[slot, 0]),
            pltpu.make_async_copy(xm_hbm.at[pl.ds(step * BLK + H, H)],
                                  xm_buf.at[slot, pl.ds(H, H)],
                                  msem.at[slot, 1]),
        )

    @pl.when(i == 0)
    def _():
        for s in range(pf):
            if s < nsteps:
                for c in copies(s, s):
                    c.start()

    nxt = i + pf
    @pl.when(nxt < nsteps)
    def _():
        for c in copies(nxt, lax.rem(nxt, nbuf)):
            c.start()

    slot = lax.rem(i, nbuf)
    for c in copies(i, slot):
        c.wait()

    h = (jnp.dot(xu_buf[slot], w1_ref[:D], preferred_element_type=jnp.float32)
         + jnp.dot(xm_buf[slot], w1_ref[D:], preferred_element_type=jnp.float32)
         + b1_ref[...])
    h = jnp.maximum(h, 0.0)
    h2t = lax.dot_general(w2_ref[...], h, (((0,), (1,)), ((), ())),
                          preferred_element_type=jnp.float32)
    h2t = jnp.maximum(h2t + b2_ref[...], 0.0)
    ot = lax.dot_general(w3_ref[...], h2t, (((0,), (0,)), ((), ())),
                         preferred_element_type=jnp.float32)
    ot = jnp.maximum(ot + b3_ref[...], 0.0)
    out_ref[...] = ot[0]


def kernel(users, movies, user_table, movie_table, W1, b1, W2, b2, W3, b3):
    B = users.shape[0]
    D = user_table.shape[1]
    NCHK = 2
    Bc = B // NCHK
    bpw = Bc // NW
    depth = min(7, 2 * (bpw // CHUNK))

    uidx = users.astype(jnp.int32)
    midx = movies.astype(jnp.int32)

    mesh = plsc.VectorSubcoreMesh(core_axis_name="c", subcore_axis_name="s")

    def make_gather(chunk_base):
        return pl.kernel(
            functools.partial(_gather_body, chunk_base, bpw, depth),
            out_type=[
                jax.ShapeDtypeStruct((Bc, D), jnp.float32),
                jax.ShapeDtypeStruct((Bc, D), jnp.float32),
            ],
            mesh=mesh,
            scratch_types=[
                pltpu.VMEM((2, bpw), jnp.int32),
                pltpu.VMEM((depth, CHUNK, D), jnp.float32),
                pltpu.SemaphoreType.DMA((depth,)),
                pltpu.SemaphoreType.DMA((depth,)),
            ],
        )

    BLK = 2048
    NBUF = 4
    nsteps = Bc // BLK

    def make_mlp(c, aliased):
        in_specs = [
            pl.BlockSpec(memory_space=pl.ANY),
            pl.BlockSpec(memory_space=pl.ANY),
            pl.BlockSpec((2 * D, 64), lambda i: (0, 0)),
            pl.BlockSpec((64,), lambda i: (0,)),
            pl.BlockSpec((64, 16), lambda i: (0, 0)),
            pl.BlockSpec((16, 1), lambda i: (0, 0)),
            pl.BlockSpec((16, 1), lambda i: (0, 0)),
            pl.BlockSpec((1, 1), lambda i: (0, 0)),
        ]
        if aliased:
            in_specs.append(pl.BlockSpec(memory_space=pl.ANY))
        return pl.pallas_call(
            functools.partial(_mlp_body, aliased),
            grid=(nsteps,),
            in_specs=in_specs,
            out_specs=pl.BlockSpec((BLK,), lambda i, c=c: (i + c * nsteps,)),
            out_shape=jax.ShapeDtypeStruct((B,), jnp.float32),
            input_output_aliases={8: 0} if aliased else {},
            scratch_shapes=[
                pltpu.VMEM((NBUF, BLK, D), jnp.float32),
                pltpu.VMEM((NBUF, BLK, D), jnp.float32),
                pltpu.SemaphoreType.DMA((NBUF, 2)),
                pltpu.SemaphoreType.DMA((NBUF, 2)),
            ],
            compiler_params=pltpu.CompilerParams(
                dimension_semantics=("arbitrary",)),
        )

    gather = make_gather(0)
    acc = None
    for c in range(NCHK):
        ue, me = gather(uidx[c * Bc:(c + 1) * Bc], midx[c * Bc:(c + 1) * Bc],
                        user_table, movie_table)
        ue = pltpu.with_memory_space_constraint(ue, pltpu.MemorySpace.HBM)
        me = pltpu.with_memory_space_constraint(me, pltpu.MemorySpace.HBM)
        args = (ue, me, W1, b1, W2, b2.reshape(16, 1), W3, b3.reshape(1, 1))
        acc = make_mlp(c, c > 0)(*args, *(() if c == 0 else (acc,)))
    return acc

# --- scband reference (transcript-rebuilt; emitter-appended) ---
"""Pipeline reference for scband-ncf-53669911330899 (READ-ONLY COPY).

The authoritative reference and input builder live on the scoring server;
editing this copy changes nothing except your own understanding.
"""

import jax, jax.numpy as jnp
import numpy as np

B = 16384
U = 100000
M = 100000
D = 128

def setup_inputs(seed: int = 0) -> dict:
    key = jax.random.key(seed)
    ks = jax.random.split(key, 12)
    return {
        "users": jax.random.randint(ks[0], (B,), 0, U, dtype=jnp.int64) if jax.config.jax_enable_x64 else jax.random.randint(ks[0], (B,), 0, U),
        "movies": jax.random.randint(ks[1], (B,), 0, M),
        "user_table": jax.random.normal(ks[2], (U, D), dtype=jnp.float32) * 0.02,
        "movie_table": jax.random.normal(ks[3], (M, D), dtype=jnp.float32) * 0.02,
        "W1": jax.random.normal(ks[4], (2 * D, 64), dtype=jnp.float32) * (1.0 / np.sqrt(2 * D)),
        "b1": jnp.zeros((64,), dtype=jnp.float32),
        "W2": jax.random.normal(ks[5], (64, 16), dtype=jnp.float32) * (1.0 / np.sqrt(64)),
        "b2": jnp.zeros((16,), dtype=jnp.float32),
        "W3": jax.random.normal(ks[6], (16, 1), dtype=jnp.float32) * (1.0 / np.sqrt(16)),
        "b3": jnp.zeros((1,), dtype=jnp.float32),
    }

def reference(users, movies, user_table, movie_table, W1, b1, W2, b2, W3, b3):
    users_embedding = jnp.take(user_table, users, axis=0)
    movies_embedding = jnp.take(movie_table, movies, axis=0)
    concat = jnp.concatenate([users_embedding, movies_embedding], axis=1)
    h = jax.nn.relu(concat @ W1 + b1)
    h = jax.nn.relu(h @ W2 + b2)
    h = jax.nn.relu(h @ W3 + b3)
    return jnp.squeeze(h)

if __name__ == "__main__":
    import jax
    _d = setup_inputs()
    print(jax.jit(kernel)(*tuple(_d.values())))

</pallas_src>

<mosaic_0001>
#map = affine_map<(d0, d1) -> (0)>
#map1 = affine_map<(d0, d1) -> (0, 0)>
module attributes {stable_mosaic.version = 14 : i64} {
  func.func @_gather_body(%arg0: i32, %arg1: i32, %arg2: memref<8192xi32, #tpu.memory_space<hbm>>, %arg3: memref<8192xi32, #tpu.memory_space<hbm>>, %arg4: memref<100000x128xf32, #tpu.memory_space<hbm>>, %arg5: memref<100000x128xf32, #tpu.memory_space<hbm>>, %arg6: memref<8192x128xf32, #tpu.memory_space<hbm>>, %arg7: memref<8192x128xf32, #tpu.memory_space<hbm>>, %arg8: memref<2x256xi32, #tpu.memory_space<vmem>>, %arg9: memref<4x128x128xf32, #tpu.memory_space<vmem>>, %arg10: memref<4x!tpu.dma_semaphore, #tpu.memory_space<semaphore_mem>>, %arg11: memref<4x!tpu.dma_semaphore, #tpu.memory_space<semaphore_mem>>) attributes {dimension_semantics = [#tpu.dimension_semantics<core_parallel>, #tpu.dimension_semantics<subcore_parallel>], iteration_bounds = array<i64: 2, 16>, scalar_prefetch = 0 : i64, scratch_operands = 4 : i64, tpu.core_type = #tpu.core_type<sc_vector_subcore>, window_params = [{transform_indices = #map}, {transform_indices = #map}, {transform_indices = #map1}, {transform_indices = #map1}, {transform_indices = #map1}, {transform_indices = #map1}]} {
    %mul3A = arith.constant 2 : i32
    %mul3A_0 = arith.muli %arg1, %mul3A : i32
    %add3A = arith.addi %mul3A_0, %arg0 : i32
    %mul3A_1 = arith.constant 256 : i32
    %mul3A_2 = arith.muli %add3A, %mul3A_1 : i32
    %add3A_3 = arith.constant 0 : i32
    %add3A_4 = arith.addi %add3A_3, %mul3A_2 : i32
    %run_scoped3A = arith.constant 0 : i32
    "tpu.region"() ({
      %run_scoped3A_262 = tpu.sem_alloc : memref<!tpu.dma_semaphore, #tpu.memory_space<semaphore_mem>>
      %dma_start3A_263 = arith.constant 0 : i32
      %dma_start3A_264 = tpu.memref_slice %arg8[%run_scoped3A, %dma_start3A_263] : memref<2x256xi32, #tpu.memory_space<vmem>> -> memref<1x256xi32, #tpu.memory_space<vmem>>
      %dma_start3A_265 = tpu.memref_squeeze %dma_start3A_264 : memref<1x256xi32, #tpu.memory_space<vmem>> -> memref<256xi32, #tpu.memory_space<vmem>>
      %dma_start3A_266 = tpu.memref_slice %arg2[%add3A_4] : memref<8192xi32, #tpu.memory_space<hbm>> -> memref<256xi32, #tpu.memory_space<hbm>>
      %dma_start3A_267 = arith.constant 0 : i32
      %dma_start3A_268 = tpu.memref_slice %arg8[%run_scoped3A, %dma_start3A_267] : memref<2x256xi32, #tpu.memory_space<vmem>> -> memref<1x256xi32, #tpu.memory_space<vmem>>
      %dma_start3A_269 = tpu.memref_squeeze %dma_start3A_268 : memref<1x256xi32, #tpu.memory_space<vmem>> -> memref<256xi32, #tpu.memory_space<vmem>>
      %dma_start3A_270 = tpu.memref_slice %arg2[%add3A_4] : memref<8192xi32, #tpu.memory_space<hbm>> -> memref<256xi32, #tpu.memory_space<hbm>>
      tpu.enqueue_dma source(%dma_start3A_270 : memref<256xi32, #tpu.memory_space<hbm>>) target(%dma_start3A_269 : memref<256xi32, #tpu.memory_space<vmem>>) target_semaphore(%run_scoped3A_262 : memref<!tpu.dma_semaphore, #tpu.memory_space<semaphore_mem>>)
      %dma_wait3A_271 = arith.constant 0 : i32
      %dma_wait3A_272 = tpu.memref_slice %arg8[%run_scoped3A, %dma_wait3A_271] : memref<2x256xi32, #tpu.memory_space<vmem>> -> memref<1x256xi32, #tpu.memory_space<vmem>>
      %dma_wait3A_273 = tpu.memref_squeeze %dma_wait3A_272 : memref<1x256xi32, #tpu.memory_space<vmem>> -> memref<256xi32, #tpu.memory_space<vmem>>
      %dma_wait3A_274 = tpu.memref_slice %arg2[%add3A_4] : memref<8192xi32, #tpu.memory_space<hbm>> -> memref<256xi32, #tpu.memory_space<hbm>>
      %dma_wait3A_275 = arith.constant 0 : i32
      %dma_wait3A_276 = tpu.memref_slice %arg8[%run_scoped3A, %dma_wait3A_275] : memref<2x256xi32, #tpu.memory_space<vmem>> -> memref<1x256xi32, #tpu.memory_space<vmem>>
      %dma_wait3A_277 = tpu.memref_squeeze %dma_wait3A_276 : memref<1x256xi32, #tpu.memory_space<vmem>> -> memref<256xi32, #tpu.memory_space<vmem>>
      %dma_wait3A_278 = tpu.memref_slice %arg2[%add3A_4] : memref<8192xi32, #tpu.memory_space<hbm>> -> memref<256xi32, #tpu.memory_space<hbm>>
      tpu.wait_dma2 semaphore(%run_scoped3A_262 : memref<!tpu.dma_semaphore, #tpu.memory_space<semaphore_mem>>) src(%dma_wait3A_278 : memref<256xi32, #tpu.memory_space<hbm>>) dst(%dma_wait3A_277 : memref<256xi32, #tpu.memory_space<vmem>>)
      tpu.yield
    }) : () -> ()
    %add3A_5 = arith.constant 0 : i32
    %add3A_6 = arith.addi %add3A_5, %mul3A_2 : i32
    %run_scoped3A_7 = arith.constant 1 : i32
    "tpu.region"() ({
      %run_scoped3A_262 = tpu.sem_alloc : memref<!tpu.dma_semaphore, #tpu.memory_space<semaphore_mem>>
      %dma_start3A_263 = arith.constant 0 : i32
      %dma_start3A_264 = tpu.memref_slice %arg8[%run_scoped3A_7, %dma_start3A_263] : memref<2x256xi32, #tpu.memory_space<vmem>> -> memref<1x256xi32, #tpu.memory_space<vmem>>
      %dma_start3A_265 = tpu.memref_squeeze %dma_start3A_264 : memref<1x256xi32, #tpu.memory_space<vmem>> -> memref<256xi32, #tpu.memory_space<vmem>>
      %dma_start3A_266 = tpu.memref_slice %arg3[%add3A_6] : memref<8192xi32, #tpu.memory_space<hbm>> -> memref<256xi32, #tpu.memory_space<hbm>>
      %dma_start3A_267 = arith.constant 0 : i32
      %dma_start3A_268 = tpu.memref_slice %arg8[%run_scoped3A_7, %dma_start3A_267] : memref<2x256xi32, #tpu.memory_space<vmem>> -> memref<1x256xi32, #tpu.memory_space<vmem>>
      %dma_start3A_269 = tpu.memref_squeeze %dma_start3A_268 : memref<1x256xi32, #tpu.memory_space<vmem>> -> memref<256xi32, #tpu.memory_space<vmem>>
      %dma_start3A_270 = tpu.memref_slice %arg3[%add3A_6] : memref<8192xi32, #tpu.memory_space<hbm>> -> memref<256xi32, #tpu.memory_space<hbm>>
      tpu.enqueue_dma source(%dma_start3A_270 : memref<256xi32, #tpu.memory_space<hbm>>) target(%dma_start3A_269 : memref<256xi32, #tpu.memory_space<vmem>>) target_semaphore(%run_scoped3A_262 : memref<!tpu.dma_semaphore, #tpu.memory_space<semaphore_mem>>)
      %dma_wait3A_271 = arith.constant 0 : i32
      %dma_wait3A_272 = tpu.memref_slice %arg8[%run_scoped3A_7, %dma_wait3A_271] : memref<2x256xi32, #tpu.memory_space<vmem>> -> memref<1x256xi32, #tpu.memory_space<vmem>>
      %dma_wait3A_273 = tpu.memref_squeeze %dma_wait3A_272 : memref<1x256xi32, #tpu.memory_space<vmem>> -> memref<256xi32, #tpu.memory_space<vmem>>
      %dma_wait3A_274 = tpu.memref_slice %arg3[%add3A_6] : memref<8192xi32, #tpu.memory_space<hbm>> -> memref<256xi32, #tpu.memory_space<hbm>>
      %dma_wait3A_275 = arith.constant 0 : i32
      %dma_wait3A_276 = tpu.memref_slice %arg8[%run_scoped3A_7, %dma_wait3A_275] : memref<2x256xi32, #tpu.memory_space<vmem>> -> memref<1x256xi32, #tpu.memory_space<vmem>>
      %dma_wait3A_277 = tpu.memref_squeeze %dma_wait3A_276 : memref<1x256xi32, #tpu.memory_space<vmem>> -> memref<256xi32, #tpu.memory_space<vmem>>
      %dma_wait3A_278 = tpu.memref_slice %arg3[%add3A_6] : memref<8192xi32, #tpu.memory_space<hbm>> -> memref<256xi32, #tpu.memory_space<hbm>>
      tpu.wait_dma2 semaphore(%run_scoped3A_262 : memref<!tpu.dma_semaphore, #tpu.memory_space<semaphore_mem>>) src(%dma_wait3A_278 : memref<256xi32, #tpu.memory_space<hbm>>) dst(%dma_wait3A_277 : memref<256xi32, #tpu.memory_space<vmem>>)
      tpu.yield
    }) : () -> ()
    %dma_start3A = arith.constant 0 : i32
    %dma_start3A_8 = arith.constant 0 : i32
    %dma_start3A_9 = arith.constant 0 : i32
    %dma_start3A_10 = arith.constant 0 : i32
    %dma_start3A_11 = arith.constant 0 : i32
    %dma_start3A_12 = tpu.memref_slice %arg9[%dma_start3A_8, %dma_start3A_10, %dma_start3A_11] : memref<4x128x128xf32, #tpu.memory_space<vmem>> -> memref<1x128x128xf32, #tpu.memory_space<vmem>>
    %dma_start3A_13 = tpu.memref_squeeze %dma_start3A_12 : memref<1x128x128xf32, #tpu.memory_space<vmem>> -> memref<128x128xf32, #tpu.memory_space<vmem>>
    %dma_start3A_14 = arith.constant 0 : i32
    %dma_start3A_15 = tpu.memref_slice %arg8[%dma_start3A, %dma_start3A_14] : memref<2x256xi32, #tpu.memory_space<vmem>> -> memref<1x128xi32, #tpu.memory_space<vmem>>
    %dma_start3A_16 = tpu.memref_squeeze %dma_start3A_15 : memref<1x128xi32, #tpu.memory_space<vmem>> -> memref<128xi32, #tpu.memory_space<vmem>>
    %dma_start3A_17 = arith.constant 0 : i32
    %dma_start3A_18 = arith.constant 0 : i32
    %dma_start3A_19 = tpu.memref_slice %arg4[%dma_start3A_17, %dma_start3A_18] : memref<100000x128xf32, #tpu.memory_space<hbm>> -> memref<100000x128xf32, #tpu.memory_space<hbm>>
    %dma_start3A_20 = tpu.memref_slice %arg10[%dma_start3A_9] : memref<4x!tpu.dma_semaphore, #tpu.memory_space<semaphore_mem>> -> memref<1x!tpu.dma_semaphore, #tpu.memory_space<semaphore_mem>>
    %dma_start3A_21 = tpu.memref_squeeze %dma_start3A_20 : memref<1x!tpu.dma_semaphore, #tpu.memory_space<semaphore_mem>> -> memref<!tpu.dma_semaphore, #tpu.memory_space<semaphore_mem>>
    tpu.enqueue_indirect_dma source(%dma_start3A_19 : memref<100000x128xf32, #tpu.memory_space<hbm>>) target(%dma_start3A_13 : memref<128x128xf32, #tpu.memory_space<vmem>>) offsets(%dma_start3A_16 : memref<128xi32, #tpu.memory_space<vmem>>) semaphore(%dma_start3A_21 : memref<!tpu.dma_semaphore, #tpu.memory_space<semaphore_mem>>)
    %dma_start3A_22 = arith.constant 0 : i32
    %dma_start3A_23 = arith.constant 1 : i32
    %dma_start3A_24 = arith.constant 1 : i32
    %dma_start3A_25 = arith.constant 0 : i32
    %dma_start3A_26 = arith.constant 0 : i32
    %dma_start3A_27 = tpu.memref_slice %arg9[%dma_start3A_23, %dma_start3A_25, %dma_start3A_26] : memref<4x128x128xf32, #tpu.memory_space<vmem>> -> memref<1x128x128xf32, #tpu.memory_space<vmem>>
    %dma_start3A_28 = tpu.memref_squeeze %dma_start3A_27 : memref<1x128x128xf32, #tpu.memory_space<vmem>> -> memref<128x128xf32, #tpu.memory_space<vmem>>
    %dma_start3A_29 = arith.constant 128 : i32
    %dma_start3A_30 = tpu.memref_slice %arg8[%dma_start3A_22, %dma_start3A_29] : memref<2x256xi32, #tpu.memory_space<vmem>> -> memref<1x128xi32, #tpu.memory_space<vmem>>
    %dma_start3A_31 = tpu.memref_squeeze %dma_start3A_30 : memref<1x128xi32, #tpu.memory_space<vmem>> -> memref<128xi32, #tpu.memory_space<vmem>>
    %dma_start3A_32 = arith.constant 0 : i32
    %dma_start3A_33 = arith.constant 0 : i32
    %dma_start3A_34 = tpu.memref_slice %arg4[%dma_start3A_32, %dma_start3A_33] : memref<100000x128xf32, #tpu.memory_space<hbm>> -> memref<100000x128xf32, #tpu.memory_space<hbm>>
    %dma_start3A_35 = tpu.memref_slice %arg10[%dma_start3A_24] : memref<4x!tpu.dma_semaphore, #tpu.memory_space<semaphore_mem>> -> memref<1x!tpu.dma_semaphore, #tpu.memory_space<semaphore_mem>>
    %dma_start3A_36 = tpu.memref_squeeze %dma_start3A_35 : memref<1x!tpu.dma_semaphore, #tpu.memory_space<semaphore_mem>> -> memref<!tpu.dma_semaphore, #tpu.memory_space<semaphore_mem>>
    tpu.enqueue_indirect_dma source(%dma_start3A_34 : memref<100000x128xf32, #tpu.memory_space<hbm>>) target(%dma_start3A_28 : memref<128x128xf32, #tpu.memory_space<vmem>>) offsets(%dma_start3A_31 : memref<128xi32, #tpu.memory_space<vmem>>) semaphore(%dma_start3A_36 : memref<!tpu.dma_semaphore, #tpu.memory_space<semaphore_mem>>)
    %dma_start3A_37 = arith.constant 1 : i32
    %dma_start3A_38 = arith.constant 2 : i32
    %dma_start3A_39 = arith.constant 2 : i32
    %dma_start3A_40 = arith.constant 0 : i32
    %dma_start3A_41 = arith.constant 0 : i32
    %dma_start3A_42 = tpu.memref_slice %arg9[%dma_start3A_38, %dma_start3A_40, %dma_start3A_41] : memref<4x128x128xf32, #tpu.memory_space<vmem>> -> memref<1x128x128xf32, #tpu.memory_space<vmem>>
    %dma_start3A_43 = tpu.memref_squeeze %dma_start3A_42 : memref<1x128x128xf32, #tpu.memory_space<vmem>> -> memref<128x128xf32, #tpu.memory_space<vmem>>
    %dma_start3A_44 = arith.constant 0 : i32
    %dma_start3A_45 = tpu.memref_slice %arg8[%dma_start3A_37, %dma_start3A_44] : memref<2x256xi32, #tpu.memory_space<vmem>> -> memref<1x128xi32, #tpu.memory_space<vmem>>
    %dma_start3A_46 = tpu.memref_squeeze %dma_start3A_45 : memref<1x128xi32, #tpu.memory_space<vmem>> -> memref<128xi32, #tpu.memory_space<vmem>>
    %dma_start3A_47 = arith.constant 0 : i32
    %dma_start3A_48 = arith.constant 0 : i32
    %dma_start3A_49 = tpu.memref_slice %arg5[%dma_start3A_47, %dma_start3A_48] : memref<100000x128xf32, #tpu.memory_space<hbm>> -> memref<100000x128xf32, #tpu.memory_space<hbm>>
    %dma_start3A_50 = tpu.memref_slice %arg10[%dma_start3A_39] : memref<4x!tpu.dma_semaphore, #tpu.memory_space<semaphore_mem>> -> memref<1x!tpu.dma_semaphore, #tpu.memory_space<semaphore_mem>>
    %dma_start3A_51 = tpu.memref_squeeze %dma_start3A_50 : memref<1x!tpu.dma_semaphore, #tpu.memory_space<semaphore_mem>> -> memref<!tpu.dma_semaphore, #tpu.memory_space<semaphore_mem>>
    tpu.enqueue_indirect_dma source(%dma_start3A_49 : memref<100000x128xf32, #tpu.memory_space<hbm>>) target(%dma_start3A_43 : memref<128x128xf32, #tpu.memory_space<vmem>>) offsets(%dma_start3A_46 : memref<128xi32, #tpu.memory_space<vmem>>) semaphore(%dma_start3A_51 : memref<!tpu.dma_semaphore, #tpu.memory_space<semaphore_mem>>)
    %dma_start3A_52 = arith.constant 1 : i32
    %dma_start3A_53 = arith.constant 3 : i32
    %dma_start3A_54 = arith.constant 3 : i32
    %dma_start3A_55 = arith.constant 0 : i32
    %dma_start3A_56 = arith.constant 0 : i32
    %dma_start3A_57 = tpu.memref_slice %arg9[%dma_start3A_53, %dma_start3A_55, %dma_start3A_56] : memref<4x128x128xf32, #tpu.memory_space<vmem>> -> memref<1x128x128xf32, #tpu.memory_space<vmem>>
    %dma_start3A_58 = tpu.memref_squeeze %dma_start3A_57 : memref<1x128x128xf32, #tpu.memory_space<vmem>> -> memref<128x128xf32, #tpu.memory_space<vmem>>
    %dma_start3A_59 = arith.constant 128 : i32
    %dma_start3A_60 = tpu.memref_slice %arg8[%dma_start3A_52, %dma_start3A_59] : memref<2x256xi32, #tpu.memory_space<vmem>> -> memref<1x128xi32, #tpu.memory_space<vmem>>
    %dma_start3A_61 = tpu.memref_squeeze %dma_start3A_60 : memref<1x128xi32, #tpu.memory_space<vmem>> -> memref<128xi32, #tpu.memory_space<vmem>>
    %dma_start3A_62 = arith.constant 0 : i32
    %dma_start3A_63 = arith.constant 0 : i32
    %dma_start3A_64 = tpu.memref_slice %arg5[%dma_start3A_62, %dma_start3A_63] : memref<100000x128xf32, #tpu.memory_space<hbm>> -> memref<100000x128xf32, #tpu.memory_space<hbm>>
    %dma_start3A_65 = tpu.memref_slice %arg10[%dma_start3A_54] : memref<4x!tpu.dma_semaphore, #tpu.memory_space<semaphore_mem>> -> memref<1x!tpu.dma_semaphore, #tpu.memory_space<semaphore_mem>>
    %dma_start3A_66 = tpu.memref_squeeze %dma_start3A_65 : memref<1x!tpu.dma_semaphore, #tpu.memory_space<semaphore_mem>> -> memref<!tpu.dma_semaphore, #tpu.memory_space<semaphore_mem>>
    tpu.enqueue_indirect_dma source(%dma_start3A_64 : memref<100000x128xf32, #tpu.memory_space<hbm>>) target(%dma_start3A_58 : memref<128x128xf32, #tpu.memory_space<vmem>>) offsets(%dma_start3A_61 : memref<128xi32, #tpu.memory_space<vmem>>) semaphore(%dma_start3A_66 : memref<!tpu.dma_semaphore, #tpu.memory_space<semaphore_mem>>)
    %dma_wait3A = arith.constant 0 : i32
    %dma_wait3A_67 = arith.constant 0 : i32
    %dma_wait3A_68 = arith.constant 0 : i32
    %dma_wait3A_69 = arith.constant 0 : i32
    %dma_wait3A_70 = arith.constant 0 : i32
    %dma_wait3A_71 = tpu.memref_slice %arg9[%dma_wait3A_67, %dma_wait3A_69, %dma_wait3A_70] : memref<4x128x128xf32, #tpu.memory_space<vmem>> -> memref<1x128x128xf32, #tpu.memory_space<vmem>>
    %dma_wait3A_72 = tpu.memref_squeeze %dma_wait3A_71 : memref<1x128x128xf32, #tpu.memory_space<vmem>> -> memref<128x128xf32, #tpu.memory_space<vmem>>
    %dma_wait3A_73 = arith.constant 0 : i32
    %dma_wait3A_74 = tpu.memref_slice %arg8[%dma_wait3A, %dma_wait3A_73] : memref<2x256xi32, #tpu.memory_space<vmem>> -> memref<1x128xi32, #tpu.memory_space<vmem>>
    %dma_wait3A_75 = tpu.memref_squeeze %dma_wait3A_74 : memref<1x128xi32, #tpu.memory_space<vmem>> -> memref<128xi32, #tpu.memory_space<vmem>>
    %dma_wait3A_76 = arith.constant 0 : i32
    %dma_wait3A_77 = arith.constant 0 : i32
    %dma_wait3A_78 = tpu.memref_slice %arg4[%dma_wait3A_76, %dma_wait3A_77] : memref<100000x128xf32, #tpu.memory_space<hbm>> -> memref<100000x128xf32, #tpu.memory_space<hbm>>
    %dma_wait3A_79 = tpu.memref_slice %arg10[%dma_wait3A_68] : memref<4x!tpu.dma_semaphore, #tpu.memory_space<semaphore_mem>> -> memref<1x!tpu.dma_semaphore, #tpu.memory_space<semaphore_mem>>
    %dma_wait3A_80 = tpu.memref_squeeze %dma_wait3A_79 : memref<1x!tpu.dma_semaphore, #tpu.memory_space<semaphore_mem>> -> memref<!tpu.dma_semaphore, #tpu.memory_space<semaphore_mem>>
    tpu.wait_indirect_dma semaphore(%dma_wait3A_80 : memref<!tpu.dma_semaphore, #tpu.memory_space<semaphore_mem>>) src(%dma_wait3A_78 : memref<100000x128xf32, #tpu.memory_space<hbm>>) dst(%dma_wait3A_72 : memref<128x128xf32, #tpu.memory_space<vmem>>)
    %add3A_81 = arith.constant 0 : i32
    %add3A_82 = arith.addi %mul3A_2, %add3A_81 : i32
    %dma_start3A_83 = arith.constant 0 : i32
    %dma_start3A_84 = arith.constant 0 : i32
    %dma_start3A_85 = arith.constant 0 : i32
    %dma_start3A_86 = arith.constant 0 : i32
    %dma_start3A_87 = tpu.memref_slice %arg9[%dma_start3A_83, %dma_start3A_85, %dma_start3A_86] : memref<4x128x128xf32, #tpu.memory_space<vmem>> -> memref<1x128x128xf32, #tpu.memory_space<vmem>>
    %dma_start3A_88 = tpu.memref_squeeze %dma_start3A_87 : memref<1x128x128xf32, #tpu.memory_space<vmem>> -> memref<128x128xf32, #tpu.memory_space<vmem>>
    %dma_start3A_89 = arith.constant 0 : i32
    %dma_start3A_90 = tpu.memref_slice %arg6[%add3A_82, %dma_start3A_89] : memref<8192x128xf32, #tpu.memory_space<hbm>> -> memref<128x128xf32, #tpu.memory_space<hbm>>
    %dma_start3A_91 = tpu.memref_slice %arg11[%dma_start3A_84] : memref<4x!tpu.dma_semaphore, #tpu.memory_space<semaphore_mem>> -> memref<1x!tpu.dma_semaphore, #tpu.memory_space<semaphore_mem>>
    %dma_start3A_92 = tpu.memref_squeeze %dma_start3A_91 : memref<1x!tpu.dma_semaphore, #tpu.memory_space<semaphore_mem>> -> memref<!tpu.dma_semaphore, #tpu.memory_space<semaphore_mem>>
    %dma_start3A_93 = arith.constant 0 : i32
    %dma_start3A_94 = tpu.memref_slice %arg6[%add3A_82, %dma_start3A_93] : memref<8192x128xf32, #tpu.memory_space<hbm>> -> memref<128x128xf32, #tpu.memory_space<hbm>>
    %dma_start3A_95 = arith.constant 0 : i32
    %dma_start3A_96 = arith.constant 0 : i32
    %dma_start3A_97 = tpu.memref_slice %arg9[%dma_start3A_83, %dma_start3A_95, %dma_start3A_96] : memref<4x128x128xf32, #tpu.memory_space<vmem>> -> memref<1x128x128xf32, #tpu.memory_space<vmem>>
    %dma_start3A_98 = tpu.memref_squeeze %dma_start3A_97 : memref<1x128x128xf32, #tpu.memory_space<vmem>> -> memref<128x128xf32, #tpu.memory_space<vmem>>
    tpu.enqueue_dma source(%dma_start3A_98 : memref<128x128xf32, #tpu.memory_space<vmem>>) target(%dma_start3A_94 : memref<128x128xf32, #tpu.memory_space<hbm>>) target_semaphore(%dma_start3A_92 : memref<!tpu.dma_semaphore, #tpu.memory_space<semaphore_mem>>)
    %dma_wait3A_99 = arith.constant 0 : i32
    %dma_wait3A_100 = arith.constant 1 : i32
    %dma_wait3A_101 = arith.constant 1 : i32
    %dma_wait3A_102 = arith.constant 0 : i32
    %dma_wait3A_103 = arith.constant 0 : i32
    %dma_wait3A_104 = tpu.memref_slice %arg9[%dma_wait3A_100, %dma_wait3A_102, %dma_wait3A_103] : memref<4x128x128xf32, #tpu.memory_space<vmem>> -> memref<1x128x128xf32, #tpu.memory_space<vmem>>
    %dma_wait3A_105 = tpu.memref_squeeze %dma_wait3A_104 : memref<1x128x128xf32, #tpu.memory_space<vmem>> -> memref<128x128xf32, #tpu.memory_space<vmem>>
    %dma_wait3A_106 = arith.constant 128 : i32
    %dma_wait3A_107 = tpu.memref_slice %arg8[%dma_wait3A_99, %dma_wait3A_106] : memref<2x256xi32, #tpu.memory_space<vmem>> -> memref<1x128xi32, #tpu.memory_space<vmem>>
    %dma_wait3A_108 = tpu.memref_squeeze %dma_wait3A_107 : memref<1x128xi32, #tpu.memory_space<vmem>> -> memref<128xi32, #tpu.memory_space<vmem>>
    %dma_wait3A_109 = arith.constant 0 : i32
    %dma_wait3A_110 = arith.constant 0 : i32
    %dma_wait3A_111 = tpu.memref_slice %arg4[%dma_wait3A_109, %dma_wait3A_110] : memref<100000x128xf32, #tpu.memory_space<hbm>> -> memref<100000x128xf32, #tpu.memory_space<hbm>>
    %dma_wait3A_112 = tpu.memref_slice %arg10[%dma_wait3A_101] : memref<4x!tpu.dma_semaphore, #tpu.memory_space<semaphore_mem>> -> memref<1x!tpu.dma_semaphore, #tpu.memory_space<semaphore_mem>>
    %dma_wait3A_113 = tpu.memref_squeeze %dma_wait3A_112 : memref<1x!tpu.dma_semaphore, #tpu.memory_space<semaphore_mem>> -> memref<!tpu.dma_semaphore, #tpu.memory_space<semaphore_mem>>
    tpu.wait_indirect_dma semaphore(%dma_wait3A_113 : memref<!tpu.dma_semaphore, #tpu.memory_space<semaphore_mem>>) src(%dma_wait3A_111 : memref<100000x128xf32, #tpu.memory_space<hbm>>) dst(%dma_wait3A_105 : memref<128x128xf32, #tpu.memory_space<vmem>>)
    %add3A_114 = arith.constant 128 : i32
    %add3A_115 = arith.addi %mul3A_2, %add3A_114 : i32
    %dma_start3A_116 = arith.constant 1 : i32
    %dma_start3A_117 = arith.constant 1 : i32
    %dma_start3A_118 = arith.constant 0 : i32
    %dma_start3A_119 = arith.constant 0 : i32
    %dma_start3A_120 = tpu.memref_slice %arg9[%dma_start3A_116, %dma_start3A_118, %dma_start3A_119] : memref<4x128x128xf32, #tpu.memory_space<vmem>> -> memref<1x128x128xf32, #tpu.memory_space<vmem>>
    %dma_start3A_121 = tpu.memref_squeeze %dma_start3A_120 : memref<1x128x128xf32, #tpu.memory_space<vmem>> -> memref<128x128xf32, #tpu.memory_space<vmem>>
    %dma_start3A_122 = arith.constant 0 : i32
    %dma_start3A_123 = tpu.memref_slice %arg6[%add3A_115, %dma_start3A_122] : memref<8192x128xf32, #tpu.memory_space<hbm>> -> memref<128x128xf32, #tpu.memory_space<hbm>>
    %dma_start3A_124 = tpu.memref_slice %arg11[%dma_start3A_117] : memref<4x!tpu.dma_semaphore, #tpu.memory_space<semaphore_mem>> -> memref<1x!tpu.dma_semaphore, #tpu.memory_space<semaphore_mem>>
    %dma_start3A_125 = tpu.memref_squeeze %dma_start3A_124 : memref<1x!tpu.dma_semaphore, #tpu.memory_space<semaphore_mem>> -> memref<!tpu.dma_semaphore, #tpu.memory_space<semaphore_mem>>
    %dma_start3A_126 = arith.constant 0 : i32
    %dma_start3A_127 = tpu.memref_slice %arg6[%add3A_115, %dma_start3A_126] : memref<8192x128xf32, #tpu.memory_space<hbm>> -> memref<128x128xf32, #tpu.memory_space<hbm>>
    %dma_start3A_128 = arith.constant 0 : i32
    %dma_start3A_129 = arith.constant 0 : i32
    %dma_start3A_130 = tpu.memref_slice %arg9[%dma_start3A_116, %dma_start3A_128, %dma_start3A_129] : memref<4x128x128xf32, #tpu.memory_space<vmem>> -> memref<1x128x128xf32, #tpu.memory_space<vmem>>
    %dma_start3A_131 = tpu.memref_squeeze %dma_start3A_130 : memref<1x128x128xf32, #tpu.memory_space<vmem>> -> memref<128x128xf32, #tpu.memory_space<vmem>>
    tpu.enqueue_dma source(%dma_start3A_131 : memref<128x128xf32, #tpu.memory_space<vmem>>) target(%dma_start3A_127 : memref<128x128xf32, #tpu.memory_space<hbm>>) target_semaphore(%dma_start3A_125 : memref<!tpu.dma_semaphore, #tpu.memory_space<semaphore_mem>>)
    %dma_wait3A_132 = arith.constant 1 : i32
    %dma_wait3A_133 = arith.constant 2 : i32
    %dma_wait3A_134 = arith.constant 2 : i32
    %dma_wait3A_135 = arith.constant 0 : i32
    %dma_wait3A_136 = arith.constant 0 : i32
    %dma_wait3A_137 = tpu.memref_slice %arg9[%dma_wait3A_133, %dma_wait3A_135, %dma_wait3A_136] : memref<4x128x128xf32, #tpu.memory_space<vmem>> -> memref<1x128x128xf32, #tpu.memory_space<vmem>>
    %dma_wait3A_138 = tpu.memref_squeeze %dma_wait3A_137 : memref<1x128x128xf32, #tpu.memory_space<vmem>> -> memref<128x128xf32, #tpu.memory_space<vmem>>
    %dma_wait3A_139 = arith.constant 0 : i32
    %dma_wait3A_140 = tpu.memref_slice %arg8[%dma_wait3A_132, %dma_wait3A_139] : memref<2x256xi32, #tpu.memory_space<vmem>> -> memref<1x128xi32, #tpu.memory_space<vmem>>
    %dma_wait3A_141 = tpu.memref_squeeze %dma_wait3A_140 : memref<1x128xi32, #tpu.memory_space<vmem>> -> memref<128xi32, #tpu.memory_space<vmem>>
    %dma_wait3A_142 = arith.constant 0 : i32
    %dma_wait3A_143 = arith.constant 0 : i32
    %dma_wait3A_144 = tpu.memref_slice %arg5[%dma_wait3A_142, %dma_wait3A_143] : memref<100000x128xf32, #tpu.memory_space<hbm>> -> memref<100000x128xf32, #tpu.memory_space<hbm>>
    %dma_wait3A_145 = tpu.memref_slice %arg10[%dma_wait3A_134] : memref<4x!tpu.dma_semaphore, #tpu.memory_space<semaphore_mem>> -> memref<1x!tpu.dma_semaphore, #tpu.memory_space<semaphore_mem>>
    %dma_wait3A_146 = tpu.memref_squeeze %dma_wait3A_145 : memref<1x!tpu.dma_semaphore, #tpu.memory_space<semaphore_mem>> -> memref<!tpu.dma_semaphore, #tpu.memory_space<semaphore_mem>>
    tpu.wait_indirect_dma semaphore(%dma_wait3A_146 : memref<!tpu.dma_semaphore, #tpu.memory_space<semaphore_mem>>) src(%dma_wait3A_144 : memref<100000x128xf32, #tpu.memory_space<hbm>>) dst(%dma_wait3A_138 : memref<128x128xf32, #tpu.memory_space<vmem>>)
    %add3A_147 = arith.constant 0 : i32
    %add3A_148 = arith.addi %mul3A_2, %add3A_147 : i32
    %dma_start3A_149 = arith.constant 2 : i32
    %dma_start3A_150 = arith.constant 2 : i32
    %dma_start3A_151 = arith.constant 0 : i32
    %dma_start3A_152 = arith.constant 0 : i32
    %dma_start3A_153 = tpu.memref_slice %arg9[%dma_start3A_149, %dma_start3A_151, %dma_start3A_152] : memref<4x128x128xf32, #tpu.memory_space<vmem>> -> memref<1x128x128xf32, #tpu.memory_space<vmem>>
    %dma_start3A_154 = tpu.memref_squeeze %dma_start3A_153 : memref<1x128x128xf32, #tpu.memory_space<vmem>> -> memref<128x128xf32, #tpu.memory_space<vmem>>
    %dma_start3A_155 = arith.constant 0 : i32
    %dma_start3A_156 = tpu.memref_slice %arg7[%add3A_148, %dma_start3A_155] : memref<8192x128xf32, #tpu.memory_space<hbm>> -> memref<128x128xf32, #tpu.memory_space<hbm>>
    %dma_start3A_157 = tpu.memref_slice %arg11[%dma_start3A_150] : memref<4x!tpu.dma_semaphore, #tpu.memory_space<semaphore_mem>> -> memref<1x!tpu.dma_semaphore, #tpu.memory_space<semaphore_mem>>
    %dma_start3A_158 = tpu.memref_squeeze %dma_start3A_157 : memref<1x!tpu.dma_semaphore, #tpu.memory_space<semaphore_mem>> -> memref<!tpu.dma_semaphore, #tpu.memory_space<semaphore_mem>>
    %dma_start3A_159 = arith.constant 0 : i32
    %dma_start3A_160 = tpu.memref_slice %arg7[%add3A_148, %dma_start3A_159] : memref<8192x128xf32, #tpu.memory_space<hbm>> -> memref<128x128xf32, #tpu.memory_space<hbm>>
    %dma_start3A_161 = arith.constant 0 : i32
    %dma_start3A_162 = arith.constant 0 : i32
    %dma_start3A_163 = tpu.memref_slice %arg9[%dma_start3A_149, %dma_start3A_161, %dma_start3A_162] : memref<4x128x128xf32, #tpu.memory_space<vmem>> -> memref<1x128x128xf32, #tpu.memory_space<vmem>>
    %dma_start3A_164 = tpu.memref_squeeze %dma_start3A_163 : memref<1x128x128xf32, #tpu.memory_space<vmem>> -> memref<128x128xf32, #tpu.memory_space<vmem>>
    tpu.enqueue_dma source(%dma_start3A_164 : memref<128x128xf32, #tpu.memory_space<vmem>>) target(%dma_start3A_160 : memref<128x128xf32, #tpu.memory_space<hbm>>) target_semaphore(%dma_start3A_158 : memref<!tpu.dma_semaphore, #tpu.memory_space<semaphore_mem>>)
    %dma_wait3A_165 = arith.constant 1 : i32
    %dma_wait3A_166 = arith.constant 3 : i32
    %dma_wait3A_167 = arith.constant 3 : i32
    %dma_wait3A_168 = arith.constant 0 : i32
    %dma_wait3A_169 = arith.constant 0 : i32
    %dma_wait3A_170 = tpu.memref_slice %arg9[%dma_wait3A_166, %dma_wait3A_168, %dma_wait3A_169] : memref<4x128x128xf32, #tpu.memory_space<vmem>> -> memref<1x128x128xf32, #tpu.memory_space<vmem>>
    %dma_wait3A_171 = tpu.memref_squeeze %dma_wait3A_170 : memref<1x128x128xf32, #tpu.memory_space<vmem>> -> memref<128x128xf32, #tpu.memory_space<vmem>>
    %dma_wait3A_172 = arith.constant 128 : i32
    %dma_wait3A_173 = tpu.memref_slice %arg8[%dma_wait3A_165, %dma_wait3A_172] : memref<2x256xi32, #tpu.memory_space<vmem>> -> memref<1x128xi32, #tpu.memory_space<vmem>>
    %dma_wait3A_174 = tpu.memref_squeeze %dma_wait3A_173 : memref<1x128xi32, #tpu.memory_space<vmem>> -> memref<128xi32, #tpu.memory_space<vmem>>
    %dma_wait3A_175 = arith.constant 0 : i32
    %dma_wait3A_176 = arith.constant 0 : i32
    %dma_wait3A_177 = tpu.memref_slice %arg5[%dma_wait3A_175, %dma_wait3A_176] : memref<100000x128xf32, #tpu.memory_space<hbm>> -> memref<100000x128xf32, #tpu.memory_space<hbm>>
    %dma_wait3A_178 = tpu.memref_slice %arg10[%dma_wait3A_167] : memref<4x!tpu.dma_semaphore, #tpu.memory_space<semaphore_mem>> -> memref<1x!tpu.dma_semaphore, #tpu.memory_space<semaphore_mem>>
    %dma_wait3A_179 = tpu.memref_squeeze %dma_wait3A_178 : memref<1x!tpu.dma_semaphore, #tpu.memory_space<semaphore_mem>> -> memref<!tpu.dma_semaphore, #tpu.memory_space<semaphore_mem>>
    tpu.wait_indirect_dma semaphore(%dma_wait3A_179 : memref<!tpu.dma_semaphore, #tpu.memory_space<semaphore_mem>>) src(%dma_wait3A_177 : memref<100000x128xf32, #tpu.memory_space<hbm>>) dst(%dma_wait3A_171 : memref<128x128xf32, #tpu.memory_space<vmem>>)
    %add3A_180 = arith.constant 128 : i32
    %add3A_181 = arith.addi %mul3A_2, %add3A_180 : i32
    %dma_start3A_182 = arith.constant 3 : i32
    %dma_start3A_183 = arith.constant 3 : i32
    %dma_start3A_184 = arith.constant 0 : i32
    %dma_start3A_185 = arith.constant 0 : i32
    %dma_start3A_186 = tpu.memref_slice %arg9[%dma_start3A_182, %dma_start3A_184, %dma_start3A_185] : memref<4x128x128xf32, #tpu.memory_space<vmem>> -> memref<1x128x128xf32, #tpu.memory_space<vmem>>
    %dma_start3A_187 = tpu.memref_squeeze %dma_start3A_186 : memref<1x128x128xf32, #tpu.memory_space<vmem>> -> memref<128x128xf32, #tpu.memory_space<vmem>>
    %dma_start3A_188 = arith.constant 0 : i32
    %dma_start3A_189 = tpu.memref_slice %arg7[%add3A_181, %dma_start3A_188] : memref<8192x128xf32, #tpu.memory_space<hbm>> -> memref<128x128xf32, #tpu.memory_space<hbm>>
    %dma_start3A_190 = tpu.memref_slice %arg11[%dma_start3A_183] : memref<4x!tpu.dma_semaphore, #tpu.memory_space<semaphore_mem>> -> memref<1x!tpu.dma_semaphore, #tpu.memory_space<semaphore_mem>>
    %dma_start3A_191 = tpu.memref_squeeze %dma_start3A_190 : memref<1x!tpu.dma_semaphore, #tpu.memory_space<semaphore_mem>> -> memref<!tpu.dma_semaphore, #tpu.memory_space<semaphore_mem>>
    %dma_start3A_192 = arith.constant 0 : i32
    %dma_start3A_193 = tpu.memref_slice %arg7[%add3A_181, %dma_start3A_192] : memref<8192x128xf32, #tpu.memory_space<hbm>> -> memref<128x128xf32, #tpu.memory_space<hbm>>
    %dma_start3A_194 = arith.constant 0 : i32
    %dma_start3A_195 = arith.constant 0 : i32
    %dma_start3A_196 = tpu.memref_slice %arg9[%dma_start3A_182, %dma_start3A_194, %dma_start3A_195] : memref<4x128x128xf32, #tpu.memory_space<vmem>> -> memref<1x128x128xf32, #tpu.memory_space<vmem>>
    %dma_start3A_197 = tpu.memref_squeeze %dma_start3A_196 : memref<1x128x128xf32, #tpu.memory_space<vmem>> -> memref<128x128xf32, #tpu.memory_space<vmem>>
    tpu.enqueue_dma source(%dma_start3A_197 : memref<128x128xf32, #tpu.memory_space<vmem>>) target(%dma_start3A_193 : memref<128x128xf32, #tpu.memory_space<hbm>>) target_semaphore(%dma_start3A_191 : memref<!tpu.dma_semaphore, #tpu.memory_space<semaphore_mem>>)
    %dma_wait3A_198 = arith.constant 0 : i32
    %dma_wait3A_199 = arith.constant 0 : i32
    %dma_wait3A_200 = arith.constant 0 : i32
    %dma_wait3A_201 = arith.constant 0 : i32
    %dma_wait3A_202 = tpu.memref_slice %arg9[%dma_wait3A_198, %dma_wait3A_200, %dma_wait3A_201] : memref<4x128x128xf32, #tpu.memory_space<vmem>> -> memref<1x128x128xf32, #tpu.memory_space<vmem>>
    %dma_wait3A_203 = tpu.memref_squeeze %dma_wait3A_202 : memref<1x128x128xf32, #tpu.memory_space<vmem>> -> memref<128x128xf32, #tpu.memory_space<vmem>>
    %dma_wait3A_204 = arith.constant 0 : i32
    %dma_wait3A_205 = tpu.memref_slice %arg6[%add3A_82, %dma_wait3A_204] : memref<8192x128xf32, #tpu.memory_space<hbm>> -> memref<128x128xf32, #tpu.memory_space<hbm>>
    %dma_wait3A_206 = tpu.memref_slice %arg11[%dma_wait3A_199] : memref<4x!tpu.dma_semaphore, #tpu.memory_space<semaphore_mem>> -> memref<1x!tpu.dma_semaphore, #tpu.memory_space<semaphore_mem>>
    %dma_wait3A_207 = tpu.memref_squeeze %dma_wait3A_206 : memref<1x!tpu.dma_semaphore, #tpu.memory_space<semaphore_mem>> -> memref<!tpu.dma_semaphore, #tpu.memory_space<semaphore_mem>>
    %dma_wait3A_208 = arith.constant 0 : i32
    %dma_wait3A_209 = tpu.memref_slice %arg6[%add3A_82, %dma_wait3A_208] : memref<8192x128xf32, #tpu.memory_space<hbm>> -> memref<128x128xf32, #tpu.memory_space<hbm>>
    %dma_wait3A_210 = arith.constant 0 : i32
    %dma_wait3A_211 = arith.constant 0 : i32
    %dma_wait3A_212 = tpu.memref_slice %arg9[%dma_wait3A_198, %dma_wait3A_210, %dma_wait3A_211] : memref<4x128x128xf32, #tpu.memory_space<vmem>> -> memref<1x128x128xf32, #tpu.memory_space<vmem>>
    %dma_wait3A_213 = tpu.memref_squeeze %dma_wait3A_212 : memref<1x128x128xf32, #tpu.memory_space<vmem>> -> memref<128x128xf32, #tpu.memory_space<vmem>>
    tpu.wait_dma2 semaphore(%dma_wait3A_207 : memref<!tpu.dma_semaphore, #tpu.memory_space<semaphore_mem>>) src(%dma_wait3A_213 : memref<128x128xf32, #tpu.memory_space<vmem>>) dst(%dma_wait3A_209 : memref<128x128xf32, #tpu.memory_space<hbm>>)
    %dma_wait3A_214 = arith.constant 1 : i32
    %dma_wait3A_215 = arith.constant 1 : i32
    %dma_wait3A_216 = arith.constant 0 : i32
    %dma_wait3A_217 = arith.constant 0 : i32
    %dma_wait3A_218 = tpu.memref_slice %arg9[%dma_wait3A_214, %dma_wait3A_216, %dma_wait3A_217] : memref<4x128x128xf32, #tpu.memory_space<vmem>> -> memref<1x128x128xf32, #tpu.memory_space<vmem>>
    %dma_wait3A_219 = tpu.memref_squeeze %dma_wait3A_218 : memref<1x128x128xf32, #tpu.memory_space<vmem>> -> memref<128x128xf32, #tpu.memory_space<vmem>>
    %dma_wait3A_220 = arith.constant 0 : i32
    %dma_wait3A_221 = tpu.memref_slice %arg6[%add3A_115, %dma_wait3A_220] : memref<8192x128xf32, #tpu.memory_space<hbm>> -> memref<128x128xf32, #tpu.memory_space<hbm>>
    %dma_wait3A_222 = tpu.memref_slice %arg11[%dma_wait3A_215] : memref<4x!tpu.dma_semaphore, #tpu.memory_space<semaphore_mem>> -> memref<1x!tpu.dma_semaphore, #tpu.memory_space<semaphore_mem>>
    %dma_wait3A_223 = tpu.memref_squeeze %dma_wait3A_222 : memref<1x!tpu.dma_semaphore, #tpu.memory_space<semaphore_mem>> -> memref<!tpu.dma_semaphore, #tpu.memory_space<semaphore_mem>>
    %dma_wait3A_224 = arith.constant 0 : i32
    %dma_wait3A_225 = tpu.memref_slice %arg6[%add3A_115, %dma_wait3A_224] : memref<8192x128xf32, #tpu.memory_space<hbm>> -> memref<128x128xf32, #tpu.memory_space<hbm>>
    %dma_wait3A_226 = arith.constant 0 : i32
    %dma_wait3A_227 = arith.constant 0 : i32
    %dma_wait3A_228 = tpu.memref_slice %arg9[%dma_wait3A_214, %dma_wait3A_226, %dma_wait3A_227] : memref<4x128x128xf32, #tpu.memory_space<vmem>> -> memref<1x128x128xf32, #tpu.memory_space<vmem>>
    %dma_wait3A_229 = tpu.memref_squeeze %dma_wait3A_228 : memref<1x128x128xf32, #tpu.memory_space<vmem>> -> memref<128x128xf32, #tpu.memory_space<vmem>>
    tpu.wait_dma2 semaphore(%dma_wait3A_223 : memref<!tpu.dma_semaphore, #tpu.memory_space<semaphore_mem>>) src(%dma_wait3A_229 : memref<128x128xf32, #tpu.memory_space<vmem>>) dst(%dma_wait3A_225 : memref<128x128xf32, #tpu.memory_space<hbm>>)
    %dma_wait3A_230 = arith.constant 2 : i32
    %dma_wait3A_231 = arith.constant 2 : i32
    %dma_wait3A_232 = arith.constant 0 : i32
    %dma_wait3A_233 = arith.constant 0 : i32
    %dma_wait3A_234 = tpu.memref_slice %arg9[%dma_wait3A_230, %dma_wait3A_232, %dma_wait3A_233] : memref<4x128x128xf32, #tpu.memory_space<vmem>> -> memref<1x128x128xf32, #tpu.memory_space<vmem>>
    %dma_wait3A_235 = tpu.memref_squeeze %dma_wait3A_234 : memref<1x128x128xf32, #tpu.memory_space<vmem>> -> memref<128x128xf32, #tpu.memory_space<vmem>>
    %dma_wait3A_236 = arith.constant 0 : i32
    %dma_wait3A_237 = tpu.memref_slice %arg7[%add3A_148, %dma_wait3A_236] : memref<8192x128xf32, #tpu.memory_space<hbm>> -> memref<128x128xf32, #tpu.memory_space<hbm>>
    %dma_wait3A_238 = tpu.memref_slice %arg11[%dma_wait3A_231] : memref<4x!tpu.dma_semaphore, #tpu.memory_space<semaphore_mem>> -> memref<1x!tpu.dma_semaphore, #tpu.memory_space<semaphore_mem>>
    %dma_wait3A_239 = tpu.memref_squeeze %dma_wait3A_238 : memref<1x!tpu.dma_semaphore, #tpu.memory_space<semaphore_mem>> -> memref<!tpu.dma_semaphore, #tpu.memory_space<semaphore_mem>>
    %dma_wait3A_240 = arith.constant 0 : i32
    %dma_wait3A_241 = tpu.memref_slice %arg7[%add3A_148, %dma_wait3A_240] : memref<8192x128xf32, #tpu.memory_space<hbm>> -> memref<128x128xf32, #tpu.memory_space<hbm>>
    %dma_wait3A_242 = arith.constant 0 : i32
    %dma_wait3A_243 = arith.constant 0 : i32
    %dma_wait3A_244 = tpu.memref_slice %arg9[%dma_wait3A_230, %dma_wait3A_242, %dma_wait3A_243] : memref<4x128x128xf32, #tpu.memory_space<vmem>> -> memref<1x128x128xf32, #tpu.memory_space<vmem>>
    %dma_wait3A_245 = tpu.memref_squeeze %dma_wait3A_244 : memref<1x128x128xf32, #tpu.memory_space<vmem>> -> memref<128x128xf32, #tpu.memory_space<vmem>>
    tpu.wait_dma2 semaphore(%dma_wait3A_239 : memref<!tpu.dma_semaphore, #tpu.memory_space<semaphore_mem>>) src(%dma_wait3A_245 : memref<128x128xf32, #tpu.memory_space<vmem>>) dst(%dma_wait3A_241 : memref<128x128xf32, #tpu.memory_space<hbm>>)
    %dma_wait3A_246 = arith.constant 3 : i32
    %dma_wait3A_247 = arith.constant 3 : i32
    %dma_wait3A_248 = arith.constant 0 : i32
    %dma_wait3A_249 = arith.constant 0 : i32
    %dma_wait3A_250 = tpu.memref_slice %arg9[%dma_wait3A_246, %dma_wait3A_248, %dma_wait3A_249] : memref<4x128x128xf32, #tpu.memory_space<vmem>> -> memref<1x128x128xf32, #tpu.memory_space<vmem>>
    %dma_wait3A_251 = tpu.memref_squeeze %dma_wait3A_250 : memref<1x128x128xf32, #tpu.memory_space<vmem>> -> memref<128x128xf32, #tpu.memory_space<vmem>>
    %dma_wait3A_252 = arith.constant 0 : i32
    %dma_wait3A_253 = tpu.memref_slice %arg7[%add3A_181, %dma_wait3A_252] : memref<8192x128xf32, #tpu.memory_space<hbm>> -> memref<128x128xf32, #tpu.memory_space<hbm>>
    %dma_wait3A_254 = tpu.memref_slice %arg11[%dma_wait3A_247] : memref<4x!tpu.dma_semaphore, #tpu.memory_space<semaphore_mem>> -> memref<1x!tpu.dma_semaphore, #tpu.memory_space<semaphore_mem>>
    %dma_wait3A_255 = tpu.memref_squeeze %dma_wait3A_254 : memref<1x!tpu.dma_semaphore, #tpu.memory_space<semaphore_mem>> -> memref<!tpu.dma_semaphore, #tpu.memory_space<semaphore_mem>>
    %dma_wait3A_256 = arith.constant 0 : i32
    %dma_wait3A_257 = tpu.memref_slice %arg7[%add3A_181, %dma_wait3A_256] : memref<8192x128xf32, #tpu.memory_space<hbm>> -> memref<128x128xf32, #tpu.memory_space<hbm>>
    %dma_wait3A_258 = arith.constant 0 : i32
    %dma_wait3A_259 = arith.constant 0 : i32
    %dma_wait3A_260 = tpu.memref_slice %arg9[%dma_wait3A_246, %dma_wait3A_258, %dma_wait3A_259] : memref<4x128x128xf32, #tpu.memory_space<vmem>> -> memref<1x128x128xf32, #tpu.memory_space<vmem>>
    %dma_wait3A_261 = tpu.memref_squeeze %dma_wait3A_260 : memref<1x128x128xf32, #tpu.memory_space<vmem>> -> memref<128x128xf32, #tpu.memory_space<vmem>>
    tpu.wait_dma2 semaphore(%dma_wait3A_255 : memref<!tpu.dma_semaphore, #tpu.memory_space<semaphore_mem>>) src(%dma_wait3A_261 : memref<128x128xf32, #tpu.memory_space<vmem>>) dst(%dma_wait3A_257 : memref<128x128xf32, #tpu.memory_space<hbm>>)
    return
  }
}

#map = affine_map<(d0, d1) -> (0)>
#map1 = affine_map<(d0, d1) -> (0, 0)>
module attributes {stable_mosaic.version = 14 : i64} {
  func.func @_gather_body(%arg0: i32, %arg1: i32, %arg2: memref<8192xi32, #tpu.memory_space<hbm>>, %arg3: memref<8192xi32, #tpu.memory_space<hbm>>, %arg4: memref<100000x128xf32, #tpu.memory_space<hbm>>, %arg5: memref<100000x128xf32, #tpu.memory_space<hbm>>, %arg6: memref<8192x128xf32, #tpu.memory_space<hbm>>, %arg7: memref<8192x128xf32, #tpu.memory_space<hbm>>, %arg8: memref<2x256xi32, #tpu.memory_space<vmem>>, %arg9: memref<4x128x128xf32, #tpu.memory_space<vmem>>, %arg10: memref<4x!tpu.dma_semaphore, #tpu.memory_space<semaphore_mem>>, %arg11: memref<4x!tpu.dma_semaphore, #tpu.memory_space<semaphore_mem>>) attributes {dimension_semantics = [#tpu.dimension_semantics<core_parallel>, #tpu.dimension_semantics<subcore_parallel>], iteration_bounds = array<i64: 2, 16>, scalar_prefetch = 0 : i64, scratch_operands = 4 : i64, tpu.core_type = #tpu.core_type<sc_vector_subcore>, window_params = [{transform_indices = #map}, {transform_indices = #map}, {transform_indices = #map1}, {transform_indices = #map1}, {transform_indices = #map1}, {transform_indices = #map1}]} {
    %mul3A = arith.constant 2 : i32
    %mul3A_0 = arith.muli %arg1, %mul3A : i32
    %add3A = arith.addi %mul3A_0, %arg0 : i32
    %mul3A_1 = arith.constant 256 : i32
    %mul3A_2 = arith.muli %add3A, %mul3A_1 : i32
    %add3A_3 = arith.constant 0 : i32
    %add3A_4 = arith.addi %add3A_3, %mul3A_2 : i32
    %run_scoped3A = arith.constant 0 : i32
    "tpu.region"() ({
      %run_scoped3A_262 = tpu.sem_alloc : memref<!tpu.dma_semaphore, #tpu.memory_space<semaphore_mem>>
      %dma_start3A_263 = arith.constant 0 : i32
      %dma_start3A_264 = tpu.memref_slice %arg8[%run_scoped3A, %dma_start3A_263] : memref<2x256xi32, #tpu.memory_space<vmem>> -> memref<1x256xi32, #tpu.memory_space<vmem>>
      %dma_start3A_265 = tpu.memref_squeeze %dma_start3A_264 : memref<1x256xi32, #tpu.memory_space<vmem>> -> memref<256xi32, #tpu.memory_space<vmem>>
      %dma_start3A_266 = tpu.memref_slice %arg2[%add3A_4] : memref<8192xi32, #tpu.memory_space<hbm>> -> memref<256xi32, #tpu.memory_space<hbm>>
      %dma_start3A_267 = arith.constant 0 : i32
      %dma_start3A_268 = tpu.memref_slice %arg8[%run_scoped3A, %dma_start3A_267] : memref<2x256xi32, #tpu.memory_space<vmem>> -> memref<1x256xi32, #tpu.memory_space<vmem>>
      %dma_start3A_269 = tpu.memref_squeeze %dma_start3A_268 : memref<1x256xi32, #tpu.memory_space<vmem>> -> memref<256xi32, #tpu.memory_space<vmem>>
      %dma_start3A_270 = tpu.memref_slice %arg2[%add3A_4] : memref<8192xi32, #tpu.memory_space<hbm>> -> memref<256xi32, #tpu.memory_space<hbm>>
      tpu.enqueue_dma source(%dma_start3A_270 : memref<256xi32, #tpu.memory_space<hbm>>) target(%dma_start3A_269 : memref<256xi32, #tpu.memory_space<vmem>>) target_semaphore(%run_scoped3A_262 : memref<!tpu.dma_semaphore, #tpu.memory_space<semaphore_mem>>)
      %dma_wait3A_271 = arith.constant 0 : i32
      %dma_wait3A_272 = tpu.memref_slice %arg8[%run_scoped3A, %dma_wait3A_271] : memref<2x256xi32, #tpu.memory_space<vmem>> -> memref<1x256xi32, #tpu.memory_space<vmem>>
      %dma_wait3A_273 = tpu.memref_squeeze %dma_wait3A_272 : memref<1x256xi32, #tpu.memory_space<vmem>> -> memref<256xi32, #tpu.memory_space<vmem>>
      %dma_wait3A_274 = tpu.memref_slice %arg2[%add3A_4] : memref<8192xi32, #tpu.memory_space<hbm>> -> memref<256xi32, #tpu.memory_space<hbm>>
      %dma_wait3A_275 = arith.constant 0 : i32
      %dma_wait3A_276 = tpu.memref_slice %arg8[%run_scoped3A, %dma_wait3A_275] : memref<2x256xi32, #tpu.memory_space<vmem>> -> memref<1x256xi32, #tpu.memory_space<vmem>>
      %dma_wait3A_277 = tpu.memref_squeeze %dma_wait3A_276 : memref<1x256xi32, #tpu.memory_space<vmem>> -> memref<256xi32, #tpu.memory_space<vmem>>
      %dma_wait3A_278 = tpu.memref_slice %arg2[%add3A_4] : memref<8192xi32, #tpu.memory_space<hbm>> -> memref<256xi32, #tpu.memory_space<hbm>>
      tpu.wait_dma2 semaphore(%run_scoped3A_262 : memref<!tpu.dma_semaphore, #tpu.memory_space<semaphore_mem>>) src(%dma_wait3A_278 : memref<256xi32, #tpu.memory_space<hbm>>) dst(%dma_wait3A_277 : memref<256xi32, #tpu.memory_space<vmem>>)
      tpu.yield
    }) : () -> ()
    %add3A_5 = arith.constant 0 : i32
    %add3A_6 = arith.addi %add3A_5, %mul3A_2 : i32
    %run_scoped3A_7 = arith.constant 1 : i32
    "tpu.region"() ({
      %run_scoped3A_262 = tpu.sem_alloc : memref<!tpu.dma_semaphore, #tpu.memory_space<semaphore_mem>>
      %dma_start3A_263 = arith.constant 0 : i32
      %dma_start3A_264 = tpu.memref_slice %arg8[%run_scoped3A_7, %dma_start3A_263] : memref<2x256xi32, #tpu.memory_space<vmem>> -> memref<1x256xi32, #tpu.memory_space<vmem>>
      %dma_start3A_265 = tpu.memref_squeeze %dma_start3A_264 : memref<1x256xi32, #tpu.memory_space<vmem>> -> memref<256xi32, #tpu.memory_space<vmem>>
      %dma_start3A_266 = tpu.memref_slice %arg3[%add3A_6] : memref<8192xi32, #tpu.memory_space<hbm>> -> memref<256xi32, #tpu.memory_space<hbm>>
      %dma_start3A_267 = arith.constant 0 : i32
      %dma_start3A_268 = tpu.memref_slice %arg8[%run_scoped3A_7, %dma_start3A_267] : memref<2x256xi32, #tpu.memory_space<vmem>> -> memref<1x256xi32, #tpu.memory_space<vmem>>
      %dma_start3A_269 = tpu.memref_squeeze %dma_start3A_268 : memref<1x256xi32, #tpu.memory_space<vmem>> -> memref<256xi32, #tpu.memory_space<vmem>>
      %dma_start3A_270 = tpu.memref_slice %arg3[%add3A_6] : memref<8192xi32, #tpu.memory_space<hbm>> -> memref<256xi32, #tpu.memory_space<hbm>>
      tpu.enqueue_dma source(%dma_start3A_270 : memref<256xi32, #tpu.memory_space<hbm>>) target(%dma_start3A_269 : memref<256xi32, #tpu.memory_space<vmem>>) target_semaphore(%run_scoped3A_262 : memref<!tpu.dma_semaphore, #tpu.memory_space<semaphore_mem>>)
      %dma_wait3A_271 = arith.constant 0 : i32
      %dma_wait3A_272 = tpu.memref_slice %arg8[%run_scoped3A_7, %dma_wait3A_271] : memref<2x256xi32, #tpu.memory_space<vmem>> -> memref<1x256xi32, #tpu.memory_space<vmem>>
      %dma_wait3A_273 = tpu.memref_squeeze %dma_wait3A_272 : memref<1x256xi32, #tpu.memory_space<vmem>> -> memref<256xi32, #tpu.memory_space<vmem>>
      %dma_wait3A_274 = tpu.memref_slice %arg3[%add3A_6] : memref<8192xi32, #tpu.memory_space<hbm>> -> memref<256xi32, #tpu.memory_space<hbm>>
      %dma_wait3A_275 = arith.constant 0 : i32
      %dma_wait3A_276 = tpu.memref_slice %arg8[%run_scoped3A_7, %dma_wait3A_275] : memref<2x256xi32, #tpu.memory_space<vmem>> -> memref<1x256xi32, #tpu.memory_space<vmem>>
      %dma_wait3A_277 = tpu.memref_squeeze %dma_wait3A_276 : memref<1x256xi32, #tpu.memory_space<vmem>> -> memref<256xi32, #tpu.memory_space<vmem>>
      %dma_wait3A_278 = tpu.memref_slice %arg3[%add3A_6] : memref<8192xi32, #tpu.memory_space<hbm>> -> memref<256xi32, #tpu.memory_space<hbm>>
      tpu.wait_dma2 semaphore(%run_scoped3A_262 : memref<!tpu.dma_semaphore, #tpu.memory_space<semaphore_mem>>) src(%dma_wait3A_278 : memref<256xi32, #tpu.memory_space<hbm>>) dst(%dma_wait3A_277 : memref<256xi32, #tpu.memory_space<vmem>>)
      tpu.yield
    }) : () -> ()
    %dma_start3A = arith.constant 0 : i32
    %dma_start3A_8 = arith.constant 0 : i32
    %dma_start3A_9 = arith.constant 0 : i32
    %dma_start3A_10 = arith.constant 0 : i32
    %dma_start3A_11 = arith.constant 0 : i32
    %dma_start3A_12 = tpu.memref_slice %arg9[%dma_start3A_8, %dma_start3A_10, %dma_start3A_11] : memref<4x128x128xf32, #tpu.memory_space<vmem>> -> memref<1x128x128xf32, #tpu.memory_space<vmem>>
    %dma_start3A_13 = tpu.memref_squeeze %dma_start3A_12 : memref<1x128x128xf32, #tpu.memory_space<vmem>> -> memref<128x128xf32, #tpu.memory_space<vmem>>
    %dma_start3A_14 = arith.constant 0 : i32
    %dma_start3A_15 = tpu.memref_slice %arg8[%dma_start3A, %dma_start3A_14] : memref<2x256xi32, #tpu.memory_space<vmem>> -> memref<1x128xi32, #tpu.memory_space<vmem>>
    %dma_start3A_16 = tpu.memref_squeeze %dma_start3A_15 : memref<1x128xi32, #tpu.memory_space<vmem>> -> memref<128xi32, #tpu.memory_space<vmem>>
    %dma_start3A_17 = arith.constant 0 : i32
    %dma_start3A_18 = arith.constant 0 : i32
    %dma_start3A_19 = tpu.memref_slice %arg4[%dma_start3A_17, %dma_start3A_18] : memref<100000x128xf32, #tpu.memory_space<hbm>> -> memref<100000x128xf32, #tpu.memory_space<hbm>>
    %dma_start3A_20 = tpu.memref_slice %arg10[%dma_start3A_9] : memref<4x!tpu.dma_semaphore, #tpu.memory_space<semaphore_mem>> -> memref<1x!tpu.dma_semaphore, #tpu.memory_space<semaphore_mem>>
    %dma_start3A_21 = tpu.memref_squeeze %dma_start3A_20 : memref<1x!tpu.dma_semaphore, #tpu.memory_space<semaphore_mem>> -> memref<!tpu.dma_semaphore, #tpu.memory_space<semaphore_mem>>
    tpu.enqueue_indirect_dma source(%dma_start3A_19 : memref<100000x128xf32, #tpu.memory_space<hbm>>) target(%dma_start3A_13 : memref<128x128xf32, #tpu.memory_space<vmem>>) offsets(%dma_start3A_16 : memref<128xi32, #tpu.memory_space<vmem>>) semaphore(%dma_start3A_21 : memref<!tpu.dma_semaphore, #tpu.memory_space<semaphore_mem>>)
    %dma_start3A_22 = arith.constant 0 : i32
    %dma_start3A_23 = arith.constant 1 : i32
    %dma_start3A_24 = arith.constant 1 : i32
    %dma_start3A_25 = arith.constant 0 : i32
    %dma_start3A_26 = arith.constant 0 : i32
    %dma_start3A_27 = tpu.memref_slice %arg9[%dma_start3A_23, %dma_start3A_25, %dma_start3A_26] : memref<4x128x128xf32, #tpu.memory_space<vmem>> -> memref<1x128x128xf32, #tpu.memory_space<vmem>>
    %dma_start3A_28 = tpu.memref_squeeze %dma_start3A_27 : memref<1x128x128xf32, #tpu.memory_space<vmem>> -> memref<128x128xf32, #tpu.memory_space<vmem>>
    %dma_start3A_29 = arith.constant 128 : i32
    %dma_start3A_30 = tpu.memref_slice %arg8[%dma_start3A_22, %dma_start3A_29] : memref<2x256xi32, #tpu.memory_space<vmem>> -> memref<1x128xi32, #tpu.memory_space<vmem>>
    %dma_start3A_31 = tpu.memref_squeeze %dma_start3A_30 : memref<1x128xi32, #tpu.memory_space<vmem>> -> memref<128xi32, #tpu.memory_space<vmem>>
    %dma_start3A_32 = arith.constant 0 : i32
    %dma_start3A_33 = arith.constant 0 : i32
    %dma_start3A_34 = tpu.memref_slice %arg4[%dma_start3A_32, %dma_start3A_33] : memref<100000x128xf32, #tpu.memory_space<hbm>> -> memref<100000x128xf32, #tpu.memory_space<hbm>>
    %dma_start3A_35 = tpu.memref_slice %arg10[%dma_start3A_24] : memref<4x!tpu.dma_semaphore, #tpu.memory_space<semaphore_mem>> -> memref<1x!tpu.dma_semaphore, #tpu.memory_space<semaphore_mem>>
    %dma_start3A_36 = tpu.memref_squeeze %dma_start3A_35 : memref<1x!tpu.dma_semaphore, #tpu.memory_space<semaphore_mem>> -> memref<!tpu.dma_semaphore, #tpu.memory_space<semaphore_mem>>
    tpu.enqueue_indirect_dma source(%dma_start3A_34 : memref<100000x128xf32, #tpu.memory_space<hbm>>) target(%dma_start3A_28 : memref<128x128xf32, #tpu.memory_space<vmem>>) offsets(%dma_start3A_31 : memref<128xi32, #tpu.memory_space<vmem>>) semaphore(%dma_start3A_36 : memref<!tpu.dma_semaphore, #tpu.memory_space<semaphore_mem>>)
    %dma_start3A_37 = arith.constant 1 : i32
    %dma_start3A_38 = arith.constant 2 : i32
    %dma_start3A_39 = arith.constant 2 : i32
    %dma_start3A_40 = arith.constant 0 : i32
    %dma_start3A_41 = arith.constant 0 : i32
    %dma_start3A_42 = tpu.memref_slice %arg9[%dma_start3A_38, %dma_start3A_40, %dma_start3A_41] : memref<4x128x128xf32, #tpu.memory_space<vmem>> -> memref<1x128x128xf32, #tpu.memory_space<vmem>>
    %dma_start3A_43 = tpu.memref_squeeze %dma_start3A_42 : memref<1x128x128xf32, #tpu.memory_space<vmem>> -> memref<128x128xf32, #tpu.memory_space<vmem>>
    %dma_start3A_44 = arith.constant 0 : i32
    %dma_start3A_45 = tpu.memref_slice %arg8[%dma_start3A_37, %dma_start3A_44] : memref<2x256xi32, #tpu.memory_space<vmem>> -> memref<1x128xi32, #tpu.memory_space<vmem>>
    %dma_start3A_46 = tpu.memref_squeeze %dma_start3A_45 : memref<1x128xi32, #tpu.memory_space<vmem>> -> memref<128xi32, #tpu.memory_space<vmem>>
    %dma_start3A_47 = arith.constant 0 : i32
    %dma_start3A_48 = arith.constant 0 : i32
    %dma_start3A_49 = tpu.memref_slice %arg5[%dma_start3A_47, %dma_start3A_48] : memref<100000x128xf32, #tpu.memory_space<hbm>> -> memref<100000x128xf32, #tpu.memory_space<hbm>>
    %dma_start3A_50 = tpu.memref_slice %arg10[%dma_start3A_39] : memref<4x!tpu.dma_semaphore, #tpu.memory_space<semaphore_mem>> -> memref<1x!tpu.dma_semaphore, #tpu.memory_space<semaphore_mem>>
    %dma_start3A_51 = tpu.memref_squeeze %dma_start3A_50 : memref<1x!tpu.dma_semaphore, #tpu.memory_space<semaphore_mem>> -> memref<!tpu.dma_semaphore, #tpu.memory_space<semaphore_mem>>
    tpu.enqueue_indirect_dma source(%dma_start3A_49 : memref<100000x128xf32, #tpu.memory_space<hbm>>) target(%dma_start3A_43 : memref<128x128xf32, #tpu.memory_space<vmem>>) offsets(%dma_start3A_46 : memref<128xi32, #tpu.memory_space<vmem>>) semaphore(%dma_start3A_51 : memref<!tpu.dma_semaphore, #tpu.memory_space<semaphore_mem>>)
    %dma_start3A_52 = arith.constant 1 : i32
    %dma_start3A_53 = arith.constant 3 : i32
    %dma_start3A_54 = arith.constant 3 : i32
    %dma_start3A_55 = arith.constant 0 : i32
    %dma_start3A_56 = arith.constant 0 : i32
    %dma_start3A_57 = tpu.memref_slice %arg9[%dma_start3A_53, %dma_start3A_55, %dma_start3A_56] : memref<4x128x128xf32, #tpu.memory_space<vmem>> -> memref<1x128x128xf32, #tpu.memory_space<vmem>>
    %dma_start3A_58 = tpu.memref_squeeze %dma_start3A_57 : memref<1x128x128xf32, #tpu.memory_space<vmem>> -> memref<128x128xf32, #tpu.memory_space<vmem>>
    %dma_start3A_59 = arith.constant 128 : i32
    %dma_start3A_60 = tpu.memref_slice %arg8[%dma_start3A_52, %dma_start3A_59] : memref<2x256xi32, #tpu.memory_space<vmem>> -> memref<1x128xi32, #tpu.memory_space<vmem>>
    %dma_start3A_61 = tpu.memref_squeeze %dma_start3A_60 : memref<1x128xi32, #tpu.memory_space<vmem>> -> memref<128xi32, #tpu.memory_space<vmem>>
    %dma_start3A_62 = arith.constant 0 : i32
    %dma_start3A_63 = arith.constant 0 : i32
    %dma_start3A_64 = tpu.memref_slice %arg5[%dma_start3A_62, %dma_start3A_63] : memref<100000x128xf32, #tpu.memory_space<hbm>> -> memref<100000x128xf32, #tpu.memory_space<hbm>>
    %dma_start3A_65 = tpu.memref_slice %arg10[%dma_start3A_54] : memref<4x!tpu.dma_semaphore, #tpu.memory_space<semaphore_mem>> -> memref<1x!tpu.dma_semaphore, #tpu.memory_space<semaphore_mem>>
    %dma_start3A_66 = tpu.memref_squeeze %dma_start3A_65 : memref<1x!tpu.dma_semaphore, #tpu.memory_space<semaphore_mem>> -> memref<!tpu.dma_semaphore, #tpu.memory_space<semaphore_mem>>
    tpu.enqueue_indirect_dma source(%dma_start3A_64 : memref<100000x128xf32, #tpu.memory_space<hbm>>) target(%dma_start3A_58 : memref<128x128xf32, #tpu.memory_space<vmem>>) offsets(%dma_start3A_61 : memref<128xi32, #tpu.memory_space<vmem>>) semaphore(%dma_start3A_66 : memref<!tpu.dma_semaphore, #tpu.memory_space<semaphore_mem>>)
    %dma_wait3A = arith.constant 0 : i32
    %dma_wait3A_67 = arith.constant 0 : i32
    %dma_wait3A_68 = arith.constant 0 : i32
    %dma_wait3A_69 = arith.constant 0 : i32
    %dma_wait3A_70 = arith.constant 0 : i32
    %dma_wait3A_71 = tpu.memref_slice %arg9[%dma_wait3A_67, %dma_wait3A_69, %dma_wait3A_70] : memref<4x128x128xf32, #tpu.memory_space<vmem>> -> memref<1x128x128xf32, #tpu.memory_space<vmem>>
    %dma_wait3A_72 = tpu.memref_squeeze %dma_wait3A_71 : memref<1x128x128xf32, #tpu.memory_space<vmem>> -> memref<128x128xf32, #tpu.memory_space<vmem>>
    %dma_wait3A_73 = arith.constant 0 : i32
    %dma_wait3A_74 = tpu.memref_slice %arg8[%dma_wait3A, %dma_wait3A_73] : memref<2x256xi32, #tpu.memory_space<vmem>> -> memref<1x128xi32, #tpu.memory_space<vmem>>
    %dma_wait3A_75 = tpu.memref_squeeze %dma_wait3A_74 : memref<1x128xi32, #tpu.memory_space<vmem>> -> memref<128xi32, #tpu.memory_space<vmem>>
    %dma_wait3A_76 = arith.constant 0 : i32
    %dma_wait3A_77 = arith.constant 0 : i32
    %dma_wait3A_78 = tpu.memref_slice %arg4[%dma_wait3A_76, %dma_wait3A_77] : memref<100000x128xf32, #tpu.memory_space<hbm>> -> memref<100000x128xf32, #tpu.memory_space<hbm>>
    %dma_wait3A_79 = tpu.memref_slice %arg10[%dma_wait3A_68] : memref<4x!tpu.dma_semaphore, #tpu.memory_space<semaphore_mem>> -> memref<1x!tpu.dma_semaphore, #tpu.memory_space<semaphore_mem>>
    %dma_wait3A_80 = tpu.memref_squeeze %dma_wait3A_79 : memref<1x!tpu.dma_semaphore, #tpu.memory_space<semaphore_mem>> -> memref<!tpu.dma_semaphore, #tpu.memory_space<semaphore_mem>>
    tpu.wait_indirect_dma semaphore(%dma_wait3A_80 : memref<!tpu.dma_semaphore, #tpu.memory_space<semaphore_mem>>) src(%dma_wait3A_78 : memref<100000x128xf32, #tpu.memory_space<hbm>>) dst(%dma_wait3A_72 : memref<128x128xf32, #tpu.memory_space<vmem>>)
    %add3A_81 = arith.constant 0 : i32
    %add3A_82 = arith.addi %mul3A_2, %add3A_81 : i32
    %dma_start3A_83 = arith.constant 0 : i32
    %dma_start3A_84 = arith.constant 0 : i32
    %dma_start3A_85 = arith.constant 0 : i32
    %dma_start3A_86 = arith.constant 0 : i32
    %dma_start3A_87 = tpu.memref_slice %arg9[%dma_start3A_83, %dma_start3A_85, %dma_start3A_86] : memref<4x128x128xf32, #tpu.memory_space<vmem>> -> memref<1x128x128xf32, #tpu.memory_space<vmem>>
    %dma_start3A_88 = tpu.memref_squeeze %dma_start3A_87 : memref<1x128x128xf32, #tpu.memory_space<vmem>> -> memref<128x128xf32, #tpu.memory_space<vmem>>
    %dma_start3A_89 = arith.constant 0 : i32
    %dma_start3A_90 = tpu.memref_slice %arg6[%add3A_82, %dma_start3A_89] : memref<8192x128xf32, #tpu.memory_space<hbm>> -> memref<128x128xf32, #tpu.memory_space<hbm>>
    %dma_start3A_91 = tpu.memref_slice %arg11[%dma_start3A_84] : memref<4x!tpu.dma_semaphore, #tpu.memory_space<semaphore_mem>> -> memref<1x!tpu.dma_semaphore, #tpu.memory_space<semaphore_mem>>
    %dma_start3A_92 = tpu.memref_squeeze %dma_start3A_91 : memref<1x!tpu.dma_semaphore, #tpu.memory_space<semaphore_mem>> -> memref<!tpu.dma_semaphore, #tpu.memory_space<semaphore_mem>>
    %dma_start3A_93 = arith.constant 0 : i32
    %dma_start3A_94 = tpu.memref_slice %arg6[%add3A_82, %dma_start3A_93] : memref<8192x128xf32, #tpu.memory_space<hbm>> -> memref<128x128xf32, #tpu.memory_space<hbm>>
    %dma_start3A_95 = arith.constant 0 : i32
    %dma_start3A_96 = arith.constant 0 : i32
    %dma_start3A_97 = tpu.memref_slice %arg9[%dma_start3A_83, %dma_start3A_95, %dma_start3A_96] : memref<4x128x128xf32, #tpu.memory_space<vmem>> -> memref<1x128x128xf32, #tpu.memory_space<vmem>>
    %dma_start3A_98 = tpu.memref_squeeze %dma_start3A_97 : memref<1x128x128xf32, #tpu.memory_space<vmem>> -> memref<128x128xf32, #tpu.memory_space<vmem>>
    tpu.enqueue_dma source(%dma_start3A_98 : memref<128x128xf32, #tpu.memory_space<vmem>>) target(%dma_start3A_94 : memref<128x128xf32, #tpu.memory_space<hbm>>) target_semaphore(%dma_start3A_92 : memref<!tpu.dma_semaphore, #tpu.memory_space<semaphore_mem>>)
    %dma_wait3A_99 = arith.constant 0 : i32
    %dma_wait3A_100 = arith.constant 1 : i32
    %dma_wait3A_101 = arith.constant 1 : i32
    %dma_wait3A_102 = arith.constant 0 : i32
    %dma_wait3A_103 = arith.constant 0 : i32
    %dma_wait3A_104 = tpu.memref_slice %arg9[%dma_wait3A_100, %dma_wait3A_102, %dma_wait3A_103] : memref<4x128x128xf32, #tpu.memory_space<vmem>> -> memref<1x128x128xf32, #tpu.memory_space<vmem>>
    %dma_wait3A_105 = tpu.memref_squeeze %dma_wait3A_104 : memref<1x128x128xf32, #tpu.memory_space<vmem>> -> memref<128x128xf32, #tpu.memory_space<vmem>>
    %dma_wait3A_106 = arith.constant 128 : i32
    %dma_wait3A_107 = tpu.memref_slice %arg8[%dma_wait3A_99, %dma_wait3A_106] : memref<2x256xi32, #tpu.memory_space<vmem>> -> memref<1x128xi32, #tpu.memory_space<vmem>>
    %dma_wait3A_108 = tpu.memref_squeeze %dma_wait3A_107 : memref<1x128xi32, #tpu.memory_space<vmem>> -> memref<128xi32, #tpu.memory_space<vmem>>
    %dma_wait3A_109 = arith.constant 0 : i32
    %dma_wait3A_110 = arith.constant 0 : i32
    %dma_wait3A_111 = tpu.memref_slice %arg4[%dma_wait3A_109, %dma_wait3A_110] : memref<100000x128xf32, #tpu.memory_space<hbm>> -> memref<100000x128xf32, #tpu.memory_space<hbm>>
    %dma_wait3A_112 = tpu.memref_slice %arg10[%dma_wait3A_101] : memref<4x!tpu.dma_semaphore, #tpu.memory_space<semaphore_mem>> -> memref<1x!tpu.dma_semaphore, #tpu.memory_space<semaphore_mem>>
    %dma_wait3A_113 = tpu.memref_squeeze %dma_wait3A_112 : memref<1x!tpu.dma_semaphore, #tpu.memory_space<semaphore_mem>> -> memref<!tpu.dma_semaphore, #tpu.memory_space<semaphore_mem>>
    tpu.wait_indirect_dma semaphore(%dma_wait3A_113 : memref<!tpu.dma_semaphore, #tpu.memory_space<semaphore_mem>>) src(%dma_wait3A_111 : memref<100000x128xf32, #tpu.memory_space<hbm>>) dst(%dma_wait3A_105 : memref<128x128xf32, #tpu.memory_space<vmem>>)
    %add3A_114 = arith.constant 128 : i32
    %add3A_115 = arith.addi %mul3A_2, %add3A_114 : i32
    %dma_start3A_116 = arith.constant 1 : i32
    %dma_start3A_117 = arith.constant 1 : i32
    %dma_start3A_118 = arith.constant 0 : i32
    %dma_start3A_119 = arith.constant 0 : i32
    %dma_start3A_120 = tpu.memref_slice %arg9[%dma_start3A_116, %dma_start3A_118, %dma_start3A_119] : memref<4x128x128xf32, #tpu.memory_space<vmem>> -> memref<1x128x128xf32, #tpu.memory_space<vmem>>
    %dma_start3A_121 = tpu.memref_squeeze %dma_start3A_120 : memref<1x128x128xf32, #tpu.memory_space<vmem>> -> memref<128x128xf32, #tpu.memory_space<vmem>>
    %dma_start3A_122 = arith.constant 0 : i32
    %dma_start3A_123 = tpu.memref_slice %arg6[%add3A_115, %dma_start3A_122] : memref<8192x128xf32, #tpu.memory_space<hbm>> -> memref<128x128xf32, #tpu.memory_space<hbm>>
    %dma_start3A_124 = tpu.memref_slice %arg11[%dma_start3A_117] : memref<4x!tpu.dma_semaphore, #tpu.memory_space<semaphore_mem>> -> memref<1x!tpu.dma_semaphore, #tpu.memory_space<semaphore_mem>>
    %dma_start3A_125 = tpu.memref_squeeze %dma_start3A_124 : memref<1x!tpu.dma_semaphore, #tpu.memory_space<semaphore_mem>> -> memref<!tpu.dma_semaphore, #tpu.memory_space<semaphore_mem>>
    %dma_start3A_126 = arith.constant 0 : i32
    %dma_start3A_127 = tpu.memref_slice %arg6[%add3A_115, %dma_start3A_126] : memref<8192x128xf32, #tpu.memory_space<hbm>> -> memref<128x128xf32, #tpu.memory_space<hbm>>
    %dma_start3A_128 = arith.constant 0 : i32
    %dma_start3A_129 = arith.constant 0 : i32
    %dma_start3A_130 = tpu.memref_slice %arg9[%dma_start3A_116, %dma_start3A_128, %dma_start3A_129] : memref<4x128x128xf32, #tpu.memory_space<vmem>> -> memref<1x128x128xf32, #tpu.memory_space<vmem>>
    %dma_start3A_131 = tpu.memref_squeeze %dma_start3A_130 : memref<1x128x128xf32, #tpu.memory_space<vmem>> -> memref<128x128xf32, #tpu.memory_space<vmem>>
    tpu.enqueue_dma source(%dma_start3A_131 : memref<128x128xf32, #tpu.memory_space<vmem>>) target(%dma_start3A_127 : memref<128x128xf32, #tpu.memory_space<hbm>>) target_semaphore(%dma_start3A_125 : memref<!tpu.dma_semaphore, #tpu.memory_space<semaphore_mem>>)
    %dma_wait3A_132 = arith.constant 1 : i32
    %dma_wait3A_133 = arith.constant 2 : i32
    %dma_wait3A_134 = arith.constant 2 : i32
    %dma_wait3A_135 = arith.constant 0 : i32
    %dma_wait3A_136 = arith.constant 0 : i32
    %dma_wait3A_137 = tpu.memref_slice %arg9[%dma_wait3A_133, %dma_wait3A_135, %dma_wait3A_136] : memref<4x128x128xf32, #tpu.memory_space<vmem>> -> memref<1x128x128xf32, #tpu.memory_space<vmem>>
    %dma_wait3A_138 = tpu.memref_squeeze %dma_wait3A_137 : memref<1x128x128xf32, #tpu.memory_space<vmem>> -> memref<128x128xf32, #tpu.memory_space<vmem>>
    %dma_wait3A_139 = arith.constant 0 : i32
    %dma_wait3A_140 = tpu.memref_slice %arg8[%dma_wait3A_132, %dma_wait3A_139] : memref<2x256xi32, #tpu.memory_space<vmem>> -> memref<1x128xi32, #tpu.memory_space<vmem>>
    %dma_wait3A_141 = tpu.memref_squeeze %dma_wait3A_140 : memref<1x128xi32, #tpu.memory_space<vmem>> -> memref<128xi32, #tpu.memory_space<vmem>>
    %dma_wait3A_142 = arith.constant 0 : i32
    %dma_wait3A_143 = arith.constant 0 : i32
    %dma_wait3A_144 = tpu.memref_slice %arg5[%dma_wait3A_142, %dma_wait3A_143] : memref<100000x128xf32, #tpu.memory_space<hbm>> -> memref<100000x128xf32, #tpu.memory_space<hbm>>
    %dma_wait3A_145 = tpu.memref_slice %arg10[%dma_wait3A_134] : memref<4x!tpu.dma_semaphore, #tpu.memory_space<semaphore_mem>> -> memref<1x!tpu.dma_semaphore, #tpu.memory_space<semaphore_mem>>
    %dma_wait3A_146 = tpu.memref_squeeze %dma_wait3A_145 : memref<1x!tpu.dma_semaphore, #tpu.memory_space<semaphore_mem>> -> memref<!tpu.dma_semaphore, #tpu.memory_space<semaphore_mem>>
    tpu.wait_indirect_dma semaphore(%dma_wait3A_146 : memref<!tpu.dma_semaphore, #tpu.memory_space<semaphore_mem>>) src(%dma_wait3A_144 : memref<100000x128xf32, #tpu.memory_space<hbm>>) dst(%dma_wait3A_138 : memref<128x128xf32, #tpu.memory_space<vmem>>)
    %add3A_147 = arith.constant 0 : i32
    %add3A_148 = arith.addi %mul3A_2, %add3A_147 : i32
    %dma_start3A_149 = arith.constant 2 : i32
    %dma_start3A_150 = arith.constant 2 : i32
    %dma_start3A_151 = arith.constant 0 : i32
    %dma_start3A_152 = arith.constant 0 : i32
    %dma_start3A_153 = tpu.memref_slice %arg9[%dma_start3A_149, %dma_start3A_151, %dma_start3A_152] : memref<4x128x128xf32, #tpu.memory_space<vmem>> -> memref<1x128x128xf32, #tpu.memory_space<vmem>>
    %dma_start3A_154 = tpu.memref_squeeze %dma_start3A_153 : memref<1x128x128xf32, #tpu.memory_space<vmem>> -> memref<128x128xf32, #tpu.memory_space<vmem>>
    %dma_start3A_155 = arith.constant 0 : i32
    %dma_start3A_156 = tpu.memref_slice %arg7[%add3A_148, %dma_start3A_155] : memref<8192x128xf32, #tpu.memory_space<hbm>> -> memref<128x128xf32, #tpu.memory_space<hbm>>
    %dma_start3A_157 = tpu.memref_slice %arg11[%dma_start3A_150] : memref<4x!tpu.dma_semaphore, #tpu.memory_space<semaphore_mem>> -> memref<1x!tpu.dma_semaphore, #tpu.memory_space<semaphore_mem>>
    %dma_start3A_158 = tpu.memref_squeeze %dma_start3A_157 : memref<1x!tpu.dma_semaphore, #tpu.memory_space<semaphore_mem>> -> memref<!tpu.dma_semaphore, #tpu.memory_space<semaphore_mem>>
    %dma_start3A_159 = arith.constant 0 : i32
    %dma_start3A_160 = tpu.memref_slice %arg7[%add3A_148, %dma_start3A_159] : memref<8192x128xf32, #tpu.memory_space<hbm>> -> memref<128x128xf32, #tpu.memory_space<hbm>>
    %dma_start3A_161 = arith.constant 0 : i32
    %dma_start3A_162 = arith.constant 0 : i32
    %dma_start3A_163 = tpu.memref_slice %arg9[%dma_start3A_149, %dma_start3A_161, %dma_start3A_162] : memref<4x128x128xf32, #tpu.memory_space<vmem>> -> memref<1x128x128xf32, #tpu.memory_space<vmem>>
    %dma_start3A_164 = tpu.memref_squeeze %dma_start3A_163 : memref<1x128x128xf32, #tpu.memory_space<vmem>> -> memref<128x128xf32, #tpu.memory_space<vmem>>
    tpu.enqueue_dma source(%dma_start3A_164 : memref<128x128xf32, #tpu.memory_space<vmem>>) target(%dma_start3A_160 : memref<128x128xf32, #tpu.memory_space<hbm>>) target_semaphore(%dma_start3A_158 : memref<!tpu.dma_semaphore, #tpu.memory_space<semaphore_mem>>)
    %dma_wait3A_165 = arith.constant 1 : i32
    %dma_wait3A_166 = arith.constant 3 : i32
    %dma_wait3A_167 = arith.constant 3 : i32
    %dma_wait3A_168 = arith.constant 0 : i32
    %dma_wait3A_169 = arith.constant 0 : i32
    %dma_wait3A_170 = tpu.memref_slice %arg9[%dma_wait3A_166, %dma_wait3A_168, %dma_wait3A_169] : memref<4x128x128xf32, #tpu.memory_space<vmem>> -> memref<1x128x128xf32, #tpu.memory_space<vmem>>
    %dma_wait3A_171 = tpu.memref_squeeze %dma_wait3A_170 : memref<1x128x128xf32, #tpu.memory_space<vmem>> -> memref<128x128xf32, #tpu.memory_space<vmem>>
    %dma_wait3A_172 = arith.constant 128 : i32
    %dma_wait3A_173 = tpu.memref_slice %arg8[%dma_wait3A_165, %dma_wait3A_172] : memref<2x256xi32, #tpu.memory_space<vmem>> -> memref<1x128xi32, #tpu.memory_space<vmem>>
    %dma_wait3A_174 = tpu.memref_squeeze %dma_wait3A_173 : memref<1x128xi32, #tpu.memory_space<vmem>> -> memref<128xi32, #tpu.memory_space<vmem>>
    %dma_wait3A_175 = arith.constant 0 : i32
    %dma_wait3A_176 = arith.constant 0 : i32
    %dma_wait3A_177 = tpu.memref_slice %arg5[%dma_wait3A_175, %dma_wait3A_176] : memref<100000x128xf32, #tpu.memory_space<hbm>> -> memref<100000x128xf32, #tpu.memory_space<hbm>>
    %dma_wait3A_178 = tpu.memref_slice %arg10[%dma_wait3A_167] : memref<4x!tpu.dma_semaphore, #tpu.memory_space<semaphore_mem>> -> memref<1x!tpu.dma_semaphore, #tpu.memory_space<semaphore_mem>>
    %dma_wait3A_179 = tpu.memref_squeeze %dma_wait3A_178 : memref<1x!tpu.dma_semaphore, #tpu.memory_space<semaphore_mem>> -> memref<!tpu.dma_semaphore, #tpu.memory_space<semaphore_mem>>
    tpu.wait_indirect_dma semaphore(%dma_wait3A_179 : memref<!tpu.dma_semaphore, #tpu.memory_space<semaphore_mem>>) src(%dma_wait3A_177 : memref<100000x128xf32, #tpu.memory_space<hbm>>) dst(%dma_wait3A_171 : memref<128x128xf32, #tpu.memory_space<vmem>>)
    %add3A_180 = arith.constant 128 : i32
    %add3A_181 = arith.addi %mul3A_2, %add3A_180 : i32
    %dma_start3A_182 = arith.constant 3 : i32
    %dma_start3A_183 = arith.constant 3 : i32
    %dma_start3A_184 = arith.constant 0 : i32
    %dma_start3A_185 = arith.constant 0 : i32
    %dma_start3A_186 = tpu.memref_slice %arg9[%dma_start3A_182, %dma_start3A_184, %dma_start3A_185] : memref<4x128x128xf32, #tpu.memory_space<vmem>> -> memref<1x128x128xf32, #tpu.memory_space<vmem>>
    %dma_start3A_187 = tpu.memref_squeeze %dma_start3A_186 : memref<1x128x128xf32, #tpu.memory_space<vmem>> -> memref<128x128xf32, #tpu.memory_space<vmem>>
    %dma_start3A_188 = arith.constant 0 : i32
    %dma_start3A_189 = tpu.memref_slice %arg7[%add3A_181, %dma_start3A_188] : memref<8192x128xf32, #tpu.memory_space<hbm>> -> memref<128x128xf32, #tpu.memory_space<hbm>>
    %dma_start3A_190 = tpu.memref_slice %arg11[%dma_start3A_183] : memref<4x!tpu.dma_semaphore, #tpu.memory_space<semaphore_mem>> -> memref<1x!tpu.dma_semaphore, #tpu.memory_space<semaphore_mem>>
    %dma_start3A_191 = tpu.memref_squeeze %dma_start3A_190 : memref<1x!tpu.dma_semaphore, #tpu.memory_space<semaphore_mem>> -> memref<!tpu.dma_semaphore, #tpu.memory_space<semaphore_mem>>
    %dma_start3A_192 = arith.constant 0 : i32
    %dma_start3A_193 = tpu.memref_slice %arg7[%add3A_181, %dma_start3A_192] : memref<8192x128xf32, #tpu.memory_space<hbm>> -> memref<128x128xf32, #tpu.memory_space<hbm>>
    %dma_start3A_194 = arith.constant 0 : i32
    %dma_start3A_195 = arith.constant 0 : i32
    %dma_start3A_196 = tpu.memref_slice %arg9[%dma_start3A_182, %dma_start3A_194, %dma_start3A_195] : memref<4x128x128xf32, #tpu.memory_space<vmem>> -> memref<1x128x128xf32, #tpu.memory_space<vmem>>
    %dma_start3A_197 = tpu.memref_squeeze %dma_start3A_196 : memref<1x128x128xf32, #tpu.memory_space<vmem>> -> memref<128x128xf32, #tpu.memory_space<vmem>>
    tpu.enqueue_dma source(%dma_start3A_197 : memref<128x128xf32, #tpu.memory_space<vmem>>) target(%dma_start3A_193 : memref<128x128xf32, #tpu.memory_space<hbm>>) target_semaphore(%dma_start3A_191 : memref<!tpu.dma_semaphore, #tpu.memory_space<semaphore_mem>>)
    %dma_wait3A_198 = arith.constant 0 : i32
    %dma_wait3A_199 = arith.constant 0 : i32
    %dma_wait3A_200 = arith.constant 0 : i32
    %dma_wait3A_201 = arith.constant 0 : i32
    %dma_wait3A_202 = tpu.memref_slice %arg9[%dma_wait3A_198, %dma_wait3A_200, %dma_wait3A_201] : memref<4x128x128xf32, #tpu.memory_space<vmem>> -> memref<1x128x128xf32, #tpu.memory_space<vmem>>
    %dma_wait3A_203 = tpu.memref_squeeze %dma_wait3A_202 : memref<1x128x128xf32, #tpu.memory_space<vmem>> -> memref<128x128xf32, #tpu.memory_space<vmem>>
    %dma_wait3A_204 = arith.constant 0 : i32
    %dma_wait3A_205 = tpu.memref_slice %arg6[%add3A_82, %dma_wait3A_204] : memref<8192x128xf32, #tpu.memory_space<hbm>> -> memref<128x128xf32, #tpu.memory_space<hbm>>
    %dma_wait3A_206 = tpu.memref_slice %arg11[%dma_wait3A_199] : memref<4x!tpu.dma_semaphore, #tpu.memory_space<semaphore_mem>> -> memref<1x!tpu.dma_semaphore, #tpu.memory_space<semaphore_mem>>
    %dma_wait3A_207 = tpu.memref_squeeze %dma_wait3A_206 : memref<1x!tpu.dma_semaphore, #tpu.memory_space<semaphore_mem>> -> memref<!tpu.dma_semaphore, #tpu.memory_space<semaphore_mem>>
    %dma_wait3A_208 = arith.constant 0 : i32
    %dma_wait3A_209 = tpu.memref_slice %arg6[%add3A_82, %dma_wait3A_208] : memref<8192x128xf32, #tpu.memory_space<hbm>> -> memref<128x128xf32, #tpu.memory_space<hbm>>
    %dma_wait3A_210 = arith.constant 0 : i32
    %dma_wait3A_211 = arith.constant 0 : i32
    %dma_wait3A_212 = tpu.memref_slice %arg9[%dma_wait3A_198, %dma_wait3A_210, %dma_wait3A_211] : memref<4x128x128xf32, #tpu.memory_space<vmem>> -> memref<1x128x128xf32, #tpu.memory_space<vmem>>
    %dma_wait3A_213 = tpu.memref_squeeze %dma_wait3A_212 : memref<1x128x128xf32, #tpu.memory_space<vmem>> -> memref<128x128xf32, #tpu.memory_space<vmem>>
    tpu.wait_dma2 semaphore(%dma_wait3A_207 : memref<!tpu.dma_semaphore, #tpu.memory_space<semaphore_mem>>) src(%dma_wait3A_213 : memref<128x128xf32, #tpu.memory_space<vmem>>) dst(%dma_wait3A_209 : memref<128x128xf32, #tpu.memory_space<hbm>>)
    %dma_wait3A_214 = arith.constant 1 : i32
    %dma_wait3A_215 = arith.constant 1 : i32
    %dma_wait3A_216 = arith.constant 0 : i32
    %dma_wait3A_217 = arith.constant 0 : i32
    %dma_wait3A_218 = tpu.memref_slice %arg9[%dma_wait3A_214, %dma_wait3A_216, %dma_wait3A_217] : memref<4x128x128xf32, #tpu.memory_space<vmem>> -> memref<1x128x128xf32, #tpu.memory_space<vmem>>
    %dma_wait3A_219 = tpu.memref_squeeze %dma_wait3A_218 : memref<1x128x128xf32, #tpu.memory_space<vmem>> -> memref<128x128xf32, #tpu.memory_space<vmem>>
    %dma_wait3A_220 = arith.constant 0 : i32
    %dma_wait3A_221 = tpu.memref_slice %arg6[%add3A_115, %dma_wait3A_220] : memref<8192x128xf32, #tpu.memory_space<hbm>> -> memref<128x128xf32, #tpu.memory_space<hbm>>
    %dma_wait3A_222 = tpu.memref_slice %arg11[%dma_wait3A_215] : memref<4x!tpu.dma_semaphore, #tpu.memory_space<semaphore_mem>> -> memref<1x!tpu.dma_semaphore, #tpu.memory_space<semaphore_mem>>
    %dma_wait3A_223 = tpu.memref_squeeze %dma_wait3A_222 : memref<1x!tpu.dma_semaphore, #tpu.memory_space<semaphore_mem>> -> memref<!tpu.dma_semaphore, #tpu.memory_space<semaphore_mem>>
    %dma_wait3A_224 = arith.constant 0 : i32
    %dma_wait3A_225 = tpu.memref_slice %arg6[%add3A_115, %dma_wait3A_224] : memref<8192x128xf32, #tpu.memory_space<hbm>> -> memref<128x128xf32, #tpu.memory_space<hbm>>
    %dma_wait3A_226 = arith.constant 0 : i32
    %dma_wait3A_227 = arith.constant 0 : i32
    %dma_wait3A_228 = tpu.memref_slice %arg9[%dma_wait3A_214, %dma_wait3A_226, %dma_wait3A_227] : memref<4x128x128xf32, #tpu.memory_space<vmem>> -> memref<1x128x128xf32, #tpu.memory_space<vmem>>
    %dma_wait3A_229 = tpu.memref_squeeze %dma_wait3A_228 : memref<1x128x128xf32, #tpu.memory_space<vmem>> -> memref<128x128xf32, #tpu.memory_space<vmem>>
    tpu.wait_dma2 semaphore(%dma_wait3A_223 : memref<!tpu.dma_semaphore, #tpu.memory_space<semaphore_mem>>) src(%dma_wait3A_229 : memref<128x128xf32, #tpu.memory_space<vmem>>) dst(%dma_wait3A_225 : memref<128x128xf32, #tpu.memory_space<hbm>>)
    %dma_wait3A_230 = arith.constant 2 : i32
    %dma_wait3A_231 = arith.constant 2 : i32
    %dma_wait3A_232 = arith.constant 0 : i32
    %dma_wait3A_233 = arith.constant 0 : i32
    %dma_wait3A_234 = tpu.memref_slice %arg9[%dma_wait3A_230, %dma_wait3A_232, %dma_wait3A_233] : memref<4x128x128xf32, #tpu.memory_space<vmem>> -> memref<1x128x128xf32, #tpu.memory_space<vmem>>
    %dma_wait3A_235 = tpu.memref_squeeze %dma_wait3A_234 : memref<1x128x128xf32, #tpu.memory_space<vmem>> -> memref<128x128xf32, #tpu.memory_space<vmem>>
    %dma_wait3A_236 = arith.constant 0 : i32
    %dma_wait3A_237 = tpu.memref_slice %arg7[%add3A_148, %dma_wait3A_236] : memref<8192x128xf32, #tpu.memory_space<hbm>> -> memref<128x128xf32, #tpu.memory_space<hbm>>
    %dma_wait3A_238 = tpu.memref_slice %arg11[%dma_wait3A_231] : memref<4x!tpu.dma_semaphore, #tpu.memory_space<semaphore_mem>> -> memref<1x!tpu.dma_semaphore, #tpu.memory_space<semaphore_mem>>
    %dma_wait3A_239 = tpu.memref_squeeze %dma_wait3A_238 : memref<1x!tpu.dma_semaphore, #tpu.memory_space<semaphore_mem>> -> memref<!tpu.dma_semaphore, #tpu.memory_space<semaphore_mem>>
    %dma_wait3A_240 = arith.constant 0 : i32
    %dma_wait3A_241 = tpu.memref_slice %arg7[%add3A_148, %dma_wait3A_240] : memref<8192x128xf32, #tpu.memory_space<hbm>> -> memref<128x128xf32, #tpu.memory_space<hbm>>
    %dma_wait3A_242 = arith.constant 0 : i32
    %dma_wait3A_243 = arith.constant 0 : i32
    %dma_wait3A_244 = tpu.memref_slice %arg9[%dma_wait3A_230, %dma_wait3A_242, %dma_wait3A_243] : memref<4x128x128xf32, #tpu.memory_space<vmem>> -> memref<1x128x128xf32, #tpu.memory_space<vmem>>
    %dma_wait3A_245 = tpu.memref_squeeze %dma_wait3A_244 : memref<1x128x128xf32, #tpu.memory_space<vmem>> -> memref<128x128xf32, #tpu.memory_space<vmem>>
    tpu.wait_dma2 semaphore(%dma_wait3A_239 : memref<!tpu.dma_semaphore, #tpu.memory_space<semaphore_mem>>) src(%dma_wait3A_245 : memref<128x128xf32, #tpu.memory_space<vmem>>) dst(%dma_wait3A_241 : memref<128x128xf32, #tpu.memory_space<hbm>>)
    %dma_wait3A_246 = arith.constant 3 : i32
    %dma_wait3A_247 = arith.constant 3 : i32
    %dma_wait3A_248 = arith.constant 0 : i32
    %dma_wait3A_249 = arith.constant 0 : i32
    %dma_wait3A_250 = tpu.memref_slice %arg9[%dma_wait3A_246, %dma_wait3A_248, %dma_wait3A_249] : memref<4x128x128xf32, #tpu.memory_space<vmem>> -> memref<1x128x128xf32, #tpu.memory_space<vmem>>
    %dma_wait3A_251 = tpu.memref_squeeze %dma_wait3A_250 : memref<1x128x128xf32, #tpu.memory_space<vmem>> -> memref<128x128xf32, #tpu.memory_space<vmem>>
    %dma_wait3A_252 = arith.constant 0 : i32
    %dma_wait3A_253 = tpu.memref_slice %arg7[%add3A_181, %dma_wait3A_252] : memref<8192x128xf32, #tpu.memory_space<hbm>> -> memref<128x128xf32, #tpu.memory_space<hbm>>
    %dma_wait3A_254 = tpu.memref_slice %arg11[%dma_wait3A_247] : memref<4x!tpu.dma_semaphore, #tpu.memory_space<semaphore_mem>> -> memref<1x!tpu.dma_semaphore, #tpu.memory_space<semaphore_mem>>
    %dma_wait3A_255 = tpu.memref_squeeze %dma_wait3A_254 : memref<1x!tpu.dma_semaphore, #tpu.memory_space<semaphore_mem>> -> memref<!tpu.dma_semaphore, #tpu.memory_space<semaphore_mem>>
    %dma_wait3A_256 = arith.constant 0 : i32
    %dma_wait3A_257 = tpu.memref_slice %arg7[%add3A_181, %dma_wait3A_256] : memref<8192x128xf32, #tpu.memory_space<hbm>> -> memref<128x128xf32, #tpu.memory_space<hbm>>
    %dma_wait3A_258 = arith.constant 0 : i32
    %dma_wait3A_259 = arith.constant 0 : i32
    %dma_wait3A_260 = tpu.memref_slice %arg9[%dma_wait3A_246, %dma_wait3A_258, %dma_wait3A_259] : memref<4x128x128xf32, #tpu.memory_space<vmem>> -> memref<1x128x128xf32, #tpu.memory_space<vmem>>
    %dma_wait3A_261 = tpu.memref_squeeze %dma_wait3A_260 : memref<1x128x128xf32, #tpu.memory_space<vmem>> -> memref<128x128xf32, #tpu.memory_space<vmem>>
    tpu.wait_dma2 semaphore(%dma_wait3A_255 : memref<!tpu.dma_semaphore, #tpu.memory_space<semaphore_mem>>) src(%dma_wait3A_261 : memref<128x128xf32, #tpu.memory_space<vmem>>) dst(%dma_wait3A_257 : memref<128x128xf32, #tpu.memory_space<hbm>>)
    return
  }
}

module attributes {stable_mosaic.version = 14 : i64} {
  func.func @_mlp_body(%arg0: i32, %arg1: memref<8192x128xf32, #tpu.memory_space<any>>, %arg2: memref<8192x128xf32, #tpu.memory_space<any>>, %arg3: memref<256x64xf32, #tpu.memory_space<vmem>>, %arg4: memref<64xf32, #tpu.memory_space<vmem>>, %arg5: memref<64x16xf32, #tpu.memory_space<vmem>>, %arg6: memref<16x1xf32, #tpu.memory_space<vmem>>, %arg7: memref<16x1xf32, #tpu.memory_space<vmem>>, %arg8: memref<1x1xf32, #tpu.memory_space<vmem>>, %arg9: memref<16384xf32, #tpu.memory_space<any>>, %arg10: memref<2048xf32, #tpu.memory_space<vmem>>, %arg11: memref<4x2048x128xf32, #tpu.memory_space<vmem>>, %arg12: memref<4x2048x128xf32, #tpu.memory_space<vmem>>, %arg13: memref<4x2x!tpu.dma_semaphore, #tpu.memory_space<semaphore_mem>>, %arg14: memref<4x2x!tpu.dma_semaphore, #tpu.memory_space<semaphore_mem>>) attributes {dimension_semantics = [#tpu.dimension_semantics<arbitrary>], iteration_bounds = array<i64: 4>, scalar_prefetch = 0 : i64, scratch_operands = 4 : i64, tpu.core_type = #tpu.core_type<tc>, window_params = [{}, {}, {pipeline_mode = #tpu.pipeline_mode<synchronous>, transform_indices = @transform_2, window_bounds = array<i64: 256, 64>}, {pipeline_mode = #tpu.pipeline_mode<synchronous>, transform_indices = @transform_3, window_bounds = array<i64: 64>}, {pipeline_mode = #tpu.pipeline_mode<synchronous>, transform_indices = @transform_4, window_bounds = array<i64: 64, 16>}, {pipeline_mode = #tpu.pipeline_mode<synchronous>, transform_indices = @transform_5, window_bounds = array<i64: 16, 1>}, {pipeline_mode = #tpu.pipeline_mode<synchronous>, transform_indices = @transform_6, window_bounds = array<i64: 16, 1>}, {pipeline_mode = #tpu.pipeline_mode<synchronous>, transform_indices = @transform_7, window_bounds = array<i64: 1, 1>}, {}, {transform_indices = @transform_9, window_bounds = array<i64: 2048>}]} {
    %eq3A = arith.constant 0 : i32
    %eq3A_0 = arith.cmpi eq, %arg0, %eq3A : i32
    %convert_element_type3A = arith.extui %eq3A_0 : i1 to i32
    %cond3A = arith.constant 0 : i32
    %cond3A_1 = arith.cmpi ne, %convert_element_type3A, %cond3A : i32
    scf.if %cond3A_1 {
      %dma_start3A = arith.constant 0 : i32
      %dma_start3A_106 = arith.constant 0 : i32
      %dma_start3A_107 = arith.constant 0 : i32
      %dma_start3A_108 = tpu.memref_slice %arg13[%dma_start3A_106, %dma_start3A_107] : memref<4x2x!tpu.dma_semaphore, #tpu.memory_space<semaphore_mem>> -> memref<1x1x!tpu.dma_semaphore, #tpu.memory_space<semaphore_mem>>
      %dma_start3A_109 = tpu.memref_squeeze %dma_start3A_108 : memref<1x1x!tpu.dma_semaphore, #tpu.memory_space<semaphore_mem>> -> memref<!tpu.dma_semaphore, #tpu.memory_space<semaphore_mem>>
      %dma_start3A_110 = arith.constant 0 : i32
      %dma_start3A_111 = arith.constant 0 : i32
      %dma_start3A_112 = tpu.memref_slice %arg11[%dma_start3A, %dma_start3A_110, %dma_start3A_111] : memref<4x2048x128xf32, #tpu.memory_space<vmem>> -> memref<1x1024x128xf32, #tpu.memory_space<vmem>>
      %dma_start3A_113 = tpu.memref_squeeze %dma_start3A_112 : memref<1x1024x128xf32, #tpu.memory_space<vmem>> -> memref<1024x128xf32, #tpu.memory_space<vmem>>
      %dma_start3A_114 = arith.constant 0 : i32
      %dma_start3A_115 = arith.constant 0 : i32
      %dma_start3A_116 = tpu.memref_slice %arg1[%dma_start3A_114, %dma_start3A_115] : memref<8192x128xf32, #tpu.memory_space<any>> -> memref<1024x128xf32, #tpu.memory_space<any>>
      tpu.enqueue_dma source(%dma_start3A_116 : memref<1024x128xf32, #tpu.memory_space<any>>) target(%dma_start3A_113 : memref<1024x128xf32, #tpu.memory_space<vmem>>) target_semaphore(%dma_start3A_109 : memref<!tpu.dma_semaphore, #tpu.memory_space<semaphore_mem>>)
      %dma_start3A_117 = arith.constant 0 : i32
      %dma_start3A_118 = arith.constant 0 : i32
      %dma_start3A_119 = arith.constant 1 : i32
      %dma_start3A_120 = tpu.memref_slice %arg13[%dma_start3A_118, %dma_start3A_119] : memref<4x2x!tpu.dma_semaphore, #tpu.memory_space<semaphore_mem>> -> memref<1x1x!tpu.dma_semaphore, #tpu.memory_space<semaphore_mem>>
      %dma_start3A_121 = tpu.memref_squeeze %dma_start3A_120 : memref<1x1x!tpu.dma_semaphore, #tpu.memory_space<semaphore_mem>> -> memref<!tpu.dma_semaphore, #tpu.memory_space<semaphore_mem>>
      %dma_start3A_122 = arith.constant 1024 : i32
      %dma_start3A_123 = arith.constant 0 : i32
      %dma_start3A_124 = tpu.memref_slice %arg11[%dma_start3A_117, %dma_start3A_122, %dma_start3A_123] : memref<4x2048x128xf32, #tpu.memory_space<vmem>> -> memref<1x1024x128xf32, #tpu.memory_space<vmem>>
      %dma_start3A_125 = tpu.memref_squeeze %dma_start3A_124 : memref<1x1024x128xf32, #tpu.memory_space<vmem>> -> memref<1024x128xf32, #tpu.memory_space<vmem>>
      %dma_start3A_126 = arith.constant 1024 : i32
      %dma_start3A_127 = arith.constant 0 : i32
      %dma_start3A_128 = tpu.memref_slice %arg1[%dma_start3A_126, %dma_start3A_127] : memref<8192x128xf32, #tpu.memory_space<any>> -> memref<1024x128xf32, #tpu.memory_space<any>>
      tpu.enqueue_dma source(%dma_start3A_128 : memref<1024x128xf32, #tpu.memory_space<any>>) target(%dma_start3A_125 : memref<1024x128xf32, #tpu.memory_space<vmem>>) target_semaphore(%dma_start3A_121 : memref<!tpu.dma_semaphore, #tpu.memory_space<semaphore_mem>>)
      %dma_start3A_129 = arith.constant 0 : i32
      %dma_start3A_130 = arith.constant 0 : i32
      %dma_start3A_131 = arith.constant 0 : i32
      %dma_start3A_132 = tpu.memref_slice %arg14[%dma_start3A_130, %dma_start3A_131] : memref<4x2x!tpu.dma_semaphore, #tpu.memory_space<semaphore_mem>> -> memref<1x1x!tpu.dma_semaphore, #tpu.memory_space<semaphore_mem>>
      %dma_start3A_133 = tpu.memref_squeeze %dma_start3A_132 : memref<1x1x!tpu.dma_semaphore, #tpu.memory_space<semaphore_mem>> -> memref<!tpu.dma_semaphore, #tpu.memory_space<semaphore_mem>>
      %dma_start3A_134 = arith.constant 0 : i32
      %dma_start3A_135 = arith.constant 0 : i32
      %dma_start3A_136 = tpu.memref_slice %arg12[%dma_start3A_129, %dma_start3A_134, %dma_start3A_135] : memref<4x2048x128xf32, #tpu.memory_space<vmem>> -> memref<1x1024x128xf32, #tpu.memory_space<vmem>>
      %dma_start3A_137 = tpu.memref_squeeze %dma_start3A_136 : memref<1x1024x128xf32, #tpu.memory_space<vmem>> -> memref<1024x128xf32, #tpu.memory_space<vmem>>
      %dma_start3A_138 = arith.constant 0 : i32
      %dma_start3A_139 = arith.constant 0 : i32
      %dma_start3A_140 = tpu.memref_slice %arg2[%dma_start3A_138, %dma_start3A_139] : memref<8192x128xf32, #tpu.memory_space<any>> -> memref<1024x128xf32, #tpu.memory_space<any>>
      tpu.enqueue_dma source(%dma_start3A_140 : memref<1024x128xf32, #tpu.memory_space<any>>) target(%dma_start3A_137 : memref<1024x128xf32, #tpu.memory_space<vmem>>) target_semaphore(%dma_start3A_133 : memref<!tpu.dma_semaphore, #tpu.memory_space<semaphore_mem>>)
      %dma_start3A_141 = arith.constant 0 : i32
      %dma_start3A_142 = arith.constant 0 : i32
      %dma_start3A_143 = arith.constant 1 : i32
      %dma_start3A_144 = tpu.memref_slice %arg14[%dma_start3A_142, %dma_start3A_143] : memref<4x2x!tpu.dma_semaphore, #tpu.memory_space<semaphore_mem>> -> memref<1x1x!tpu.dma_semaphore, #tpu.memory_space<semaphore_mem>>
      %dma_start3A_145 = tpu.memref_squeeze %dma_start3A_144 : memref<1x1x!tpu.dma_semaphore, #tpu.memory_space<semaphore_mem>> -> memref<!tpu.dma_semaphore, #tpu.memory_space<semaphore_mem>>
      %dma_start3A_146 = arith.constant 1024 : i32
      %dma_start3A_147 = arith.constant 0 : i32
      %dma_start3A_148 = tpu.memref_slice %arg12[%dma_start3A_141, %dma_start3A_146, %dma_start3A_147] : memref<4x2048x128xf32, #tpu.memory_space<vmem>> -> memref<1x1024x128xf32, #tpu.memory_space<vmem>>
      %dma_start3A_149 = tpu.memref_squeeze %dma_start3A_148 : memref<1x1024x128xf32, #tpu.memory_space<vmem>> -> memref<1024x128xf32, #tpu.memory_space<vmem>>
      %dma_start3A_150 = arith.constant 1024 : i32
      %dma_start3A_151 = arith.constant 0 : i32
      %dma_start3A_152 = tpu.memref_slice %arg2[%dma_start3A_150, %dma_start3A_151] : memref<8192x128xf32, #tpu.memory_space<any>> -> memref<1024x128xf32, #tpu.memory_space<any>>
      tpu.enqueue_dma source(%dma_start3A_152 : memref<1024x128xf32, #tpu.memory_space<any>>) target(%dma_start3A_149 : memref<1024x128xf32, #tpu.memory_space<vmem>>) target_semaphore(%dma_start3A_145 : memref<!tpu.dma_semaphore, #tpu.memory_space<semaphore_mem>>)
      %dma_start3A_153 = arith.constant 1 : i32
      %dma_start3A_154 = arith.constant 1 : i32
      %dma_start3A_155 = arith.constant 0 : i32
      %dma_start3A_156 = tpu.memref_slice %arg13[%dma_start3A_154, %dma_start3A_155] : memref<4x2x!tpu.dma_semaphore, #tpu.memory_space<semaphore_mem>> -> memref<1x1x!tpu.dma_semaphore, #tpu.memory_space<semaphore_mem>>
      %dma_start3A_157 = tpu.memref_squeeze %dma_start3A_156 : memref<1x1x!tpu.dma_semaphore, #tpu.memory_space<semaphore_mem>> -> memref<!tpu.dma_semaphore, #tpu.memory_space<semaphore_mem>>
      %dma_start3A_158 = arith.constant 0 : i32
      %dma_start3A_159 = arith.constant 0 : i32
      %dma_start3A_160 = tpu.memref_slice %arg11[%dma_start3A_153, %dma_start3A_158, %dma_start3A_159] : memref<4x2048x128xf32, #tpu.memory_space<vmem>> -> memref<1x1024x128xf32, #tpu.memory_space<vmem>>
      %dma_start3A_161 = tpu.memref_squeeze %dma_start3A_160 : memref<1x1024x128xf32, #tpu.memory_space<vmem>> -> memref<1024x128xf32, #tpu.memory_space<vmem>>
      %dma_start3A_162 = arith.constant 2048 : i32
      %dma_start3A_163 = arith.constant 0 : i32
      %dma_start3A_164 = tpu.memref_slice %arg1[%dma_start3A_162, %dma_start3A_163] : memref<8192x128xf32, #tpu.memory_space<any>> -> memref<1024x128xf32, #tpu.memory_space<any>>
      tpu.enqueue_dma source(%dma_start3A_164 : memref<1024x128xf32, #tpu.memory_space<any>>) target(%dma_start3A_161 : memref<1024x128xf32, #tpu.memory_space<vmem>>) target_semaphore(%dma_start3A_157 : memref<!tpu.dma_semaphore, #tpu.memory_space<semaphore_mem>>)
      %dma_start3A_165 = arith.constant 1 : i32
      %dma_start3A_166 = arith.constant 1 : i32
      %dma_start3A_167 = arith.constant 1 : i32
      %dma_start3A_168 = tpu.memref_slice %arg13[%dma_start3A_166, %dma_start3A_167] : memref<4x2x!tpu.dma_semaphore, #tpu.memory_space<semaphore_mem>> -> memref<1x1x!tpu.dma_semaphore, #tpu.memory_space<semaphore_mem>>
      %dma_start3A_169 = tpu.memref_squeeze %dma_start3A_168 : memref<1x1x!tpu.dma_semaphore, #tpu.memory_space<semaphore_mem>> -> memref<!tpu.dma_semaphore, #tpu.memory_space<semaphore_mem>>
      %dma_start3A_170 = arith.constant 1024 : i32
      %dma_start3A_171 = arith.constant 0 : i32
      %dma_start3A_172 = tpu.memref_slice %arg11[%dma_start3A_165, %dma_start3A_170, %dma_start3A_171] : memref<4x2048x128xf32, #tpu.memory_space<vmem>> -> memref<1x1024x128xf32, #tpu.memory_space<vmem>>
      %dma_start3A_173 = tpu.memref_squeeze %dma_start3A_172 : memref<1x1024x128xf32, #tpu.memory_space<vmem>> -> memref<1024x128xf32, #tpu.memory_space<vmem>>
      %dma_start3A_174 = arith.constant 3072 : i32
      %dma_start3A_175 = arith.constant 0 : i32
      %dma_start3A_176 = tpu.memref_slice %arg1[%dma_start3A_174, %dma_start3A_175] : memref<8192x128xf32, #tpu.memory_space<any>> -> memref<1024x128xf32, #tpu.memory_space<any>>
      tpu.enqueue_dma source(%dma_start3A_176 : memref<1024x128xf32, #tpu.memory_space<any>>) target(%dma_start3A_173 : memref<1024x128xf32, #tpu.memory_space<vmem>>) target_semaphore(%dma_start3A_169 : memref<!tpu.dma_semaphore, #tpu.memory_space<semaphore_mem>>)
      %dma_start3A_177 = arith.constant 1 : i32
      %dma_start3A_178 = arith.constant 1 : i32
      %dma_start3A_179 = arith.constant 0 : i32
      %dma_start3A_180 = tpu.memref_slice %arg14[%dma_start3A_178, %dma_start3A_179] : memref<4x2x!tpu.dma_semaphore, #tpu.memory_space<semaphore_mem>> -> memref<1x1x!tpu.dma_semaphore, #tpu.memory_space<semaphore_mem>>
      %dma_start3A_181 = tpu.memref_squeeze %dma_start3A_180 : memref<1x1x!tpu.dma_semaphore, #tpu.memory_space<semaphore_mem>> -> memref<!tpu.dma_semaphore, #tpu.memory_space<semaphore_mem>>
      %dma_start3A_182 = arith.constant 0 : i32
      %dma_start3A_183 = arith.constant 0 : i32
      %dma_start3A_184 = tpu.memref_slice %arg12[%dma_start3A_177, %dma_start3A_182, %dma_start3A_183] : memref<4x2048x128xf32, #tpu.memory_space<vmem>> -> memref<1x1024x128xf32, #tpu.memory_space<vmem>>
      %dma_start3A_185 = tpu.memref_squeeze %dma_start3A_184 : memref<1x1024x128xf32, #tpu.memory_space<vmem>> -> memref<1024x128xf32, #tpu.memory_space<vmem>>
      %dma_start3A_186 = arith.constant 2048 : i32
      %dma_start3A_187 = arith.constant 0 : i32
      %dma_start3A_188 = tpu.memref_slice %arg2[%dma_start3A_186, %dma_start3A_187] : memref<8192x128xf32, #tpu.memory_space<any>> -> memref<1024x128xf32, #tpu.memory_space<any>>
      tpu.enqueue_dma source(%dma_start3A_188 : memref<1024x128xf32, #tpu.memory_space<any>>) target(%dma_start3A_185 : memref<1024x128xf32, #tpu.memory_space<vmem>>) target_semaphore(%dma_start3A_181 : memref<!tpu.dma_semaphore, #tpu.memory_space<semaphore_mem>>)
      %dma_start3A_189 = arith.constant 1 : i32
      %dma_start3A_190 = arith.constant 1 : i32
      %dma_start3A_191 = arith.constant 1 : i32
      %dma_start3A_192 = tpu.memref_slice %arg14[%dma_start3A_190, %dma_start3A_191] : memref<4x2x!tpu.dma_semaphore, #tpu.memory_space<semaphore_mem>> -> memref<1x1x!tpu.dma_semaphore, #tpu.memory_space<semaphore_mem>>
      %dma_start3A_193 = tpu.memref_squeeze %dma_start3A_192 : memref<1x1x!tpu.dma_semaphore, #tpu.memory_space<semaphore_mem>> -> memref<!tpu.dma_semaphore, #tpu.memory_space<semaphore_mem>>
      %dma_start3A_194 = arith.constant 1024 : i32
      %dma_start3A_195 = arith.constant 0 : i32
      %dma_start3A_196 = tpu.memref_slice %arg12[%dma_start3A_189, %dma_start3A_194, %dma_start3A_195] : memref<4x2048x128xf32, #tpu.memory_space<vmem>> -> memref<1x1024x128xf32, #tpu.memory_space<vmem>>
      %dma_start3A_197 = tpu.memref_squeeze %dma_start3A_196 : memref<1x1024x128xf32, #tpu.memory_space<vmem>> -> memref<1024x128xf32, #tpu.memory_space<vmem>>
      %dma_start3A_198 = arith.constant 3072 : i32
      %dma_start3A_199 = arith.constant 0 : i32
      %dma_start3A_200 = tpu.memref_slice %arg2[%dma_start3A_198, %dma_start3A_199] : memref<8192x128xf32, #tpu.memory_space<any>> -> memref<1024x128xf32, #tpu.memory_space<any>>
      tpu.enqueue_dma source(%dma_start3A_200 : memref<1024x128xf32, #tpu.memory_space<any>>) target(%dma_start3A_197 : memref<1024x128xf32, #tpu.memory_space<vmem>>) target_semaphore(%dma_start3A_193 : memref<!tpu.dma_semaphore, #tpu.memory_space<semaphore_mem>>)
      %dma_start3A_201 = arith.constant 2 : i32
      %dma_start3A_202 = arith.constant 2 : i32
      %dma_start3A_203 = arith.constant 0 : i32
      %dma_start3A_204 = tpu.memref_slice %arg13[%dma_start3A_202, %dma_start3A_203] : memref<4x2x!tpu.dma_semaphore, #tpu.memory_space<semaphore_mem>> -> memref<1x1x!tpu.dma_semaphore, #tpu.memory_space<semaphore_mem>>
      %dma_start3A_205 = tpu.memref_squeeze %dma_start3A_204 : memref<1x1x!tpu.dma_semaphore, #tpu.memory_space<semaphore_mem>> -> memref<!tpu.dma_semaphore, #tpu.memory_space<semaphore_mem>>
      %dma_start3A_206 = arith.constant 0 : i32
      %dma_start3A_207 = arith.constant 0 : i32
      %dma_start3A_208 = tpu.memref_slice %arg11[%dma_start3A_201, %dma_start3A_206, %dma_start3A_207] : memref<4x2048x128xf32, #tpu.memory_space<vmem>> -> memref<1x1024x128xf32, #tpu.memory_space<vmem>>
      %dma_start3A_209 = tpu.memref_squeeze %dma_start3A_208 : memref<1x1024x128xf32, #tpu.memory_space<vmem>> -> memref<1024x128xf32, #tpu.memory_space<vmem>>
      %dma_start3A_210 = arith.constant 4096 : i32
      %dma_start3A_211 = arith.constant 0 : i32
      %dma_start3A_212 = tpu.memref_slice %arg1[%dma_start3A_210, %dma_start3A_211] : memref<8192x128xf32, #tpu.memory_space<any>> -> memref<1024x128xf32, #tpu.memory_space<any>>
      tpu.enqueue_dma source(%dma_start3A_212 : memref<1024x128xf32, #tpu.memory_space<any>>) target(%dma_start3A_209 : memref<1024x128xf32, #tpu.memory_space<vmem>>) target_semaphore(%dma_start3A_205 : memref<!tpu.dma_semaphore, #tpu.memory_space<semaphore_mem>>)
      %dma_start3A_213 = arith.constant 2 : i32
      %dma_start3A_214 = arith.constant 2 : i32
      %dma_start3A_215 = arith.constant 1 : i32
      %dma_start3A_216 = tpu.memref_slice %arg13[%dma_start3A_214, %dma_start3A_215] : memref<4x2x!tpu.dma_semaphore, #tpu.memory_space<semaphore_mem>> -> memref<1x1x!tpu.dma_semaphore, #tpu.memory_space<semaphore_mem>>
      %dma_start3A_217 = tpu.memref_squeeze %dma_start3A_216 : memref<1x1x!tpu.dma_semaphore, #tpu.memory_space<semaphore_mem>> -> memref<!tpu.dma_semaphore, #tpu.memory_space<semaphore_mem>>
      %dma_start3A_218 = arith.constant 1024 : i32
      %dma_start3A_219 = arith.constant 0 : i32
      %dma_start3A_220 = tpu.memref_slice %arg11[%dma_start3A_213, %dma_start3A_218, %dma_start3A_219] : memref<4x2048x128xf32, #tpu.memory_space<vmem>> -> memref<1x1024x128xf32, #tpu.memory_space<vmem>>
      %dma_start3A_221 = tpu.memref_squeeze %dma_start3A_220 : memref<1x1024x128xf32, #tpu.memory_space<vmem>> -> memref<1024x128xf32, #tpu.memory_space<vmem>>
      %dma_start3A_222 = arith.constant 5120 : i32
      %dma_start3A_223 = arith.constant 0 : i32
      %dma_start3A_224 = tpu.memref_slice %arg1[%dma_start3A_222, %dma_start3A_223] : memref<8192x128xf32, #tpu.memory_space<any>> -> memref<1024x128xf32, #tpu.memory_space<any>>
      tpu.enqueue_dma source(%dma_start3A_224 : memref<1024x128xf32, #tpu.memory_space<any>>) target(%dma_start3A_221 : memref<1024x128xf32, #tpu.memory_space<vmem>>) target_semaphore(%dma_start3A_217 : memref<!tpu.dma_semaphore, #tpu.memory_space<semaphore_mem>>)
      %dma_start3A_225 = arith.constant 2 : i32
      %dma_start3A_226 = arith.constant 2 : i32
      %dma_start3A_227 = arith.constant 0 : i32
      %dma_start3A_228 = tpu.memref_slice %arg14[%dma_start3A_226, %dma_start3A_227] : memref<4x2x!tpu.dma_semaphore, #tpu.memory_space<semaphore_mem>> -> memref<1x1x!tpu.dma_semaphore, #tpu.memory_space<semaphore_mem>>
      %dma_start3A_229 = tpu.memref_squeeze %dma_start3A_228 : memref<1x1x!tpu.dma_semaphore, #tpu.memory_space<semaphore_mem>> -> memref<!tpu.dma_semaphore, #tpu.memory_space<semaphore_mem>>
      %dma_start3A_230 = arith.constant 0 : i32
      %dma_start3A_231 = arith.constant 0 : i32
      %dma_start3A_232 = tpu.memref_slice %arg12[%dma_start3A_225, %dma_start3A_230, %dma_start3A_231] : memref<4x2048x128xf32, #tpu.memory_space<vmem>> -> memref<1x1024x128xf32, #tpu.memory_space<vmem>>
      %dma_start3A_233 = tpu.memref_squeeze %dma_start3A_232 : memref<1x1024x128xf32, #tpu.memory_space<vmem>> -> memref<1024x128xf32, #tpu.memory_space<vmem>>
      %dma_start3A_234 = arith.constant 4096 : i32
      %dma_start3A_235 = arith.constant 0 : i32
      %dma_start3A_236 = tpu.memref_slice %arg2[%dma_start3A_234, %dma_start3A_235] : memref<8192x128xf32, #tpu.memory_space<any>> -> memref<1024x128xf32, #tpu.memory_space<any>>
      tpu.enqueue_dma source(%dma_start3A_236 : memref<1024x128xf32, #tpu.memory_space<any>>) target(%dma_start3A_233 : memref<1024x128xf32, #tpu.memory_space<vmem>>) target_semaphore(%dma_start3A_229 : memref<!tpu.dma_semaphore, #tpu.memory_space<semaphore_mem>>)
      %dma_start3A_237 = arith.constant 2 : i32
      %dma_start3A_238 = arith.constant 2 : i32
      %dma_start3A_239 = arith.constant 1 : i32
      %dma_start3A_240 = tpu.memref_slice %arg14[%dma_start3A_238, %dma_start3A_239] : memref<4x2x!tpu.dma_semaphore, #tpu.memory_space<semaphore_mem>> -> memref<1x1x!tpu.dma_semaphore, #tpu.memory_space<semaphore_mem>>
      %dma_start3A_241 = tpu.memref_squeeze %dma_start3A_240 : memref<1x1x!tpu.dma_semaphore, #tpu.memory_space<semaphore_mem>> -> memref<!tpu.dma_semaphore, #tpu.memory_space<semaphore_mem>>
      %dma_start3A_242 = arith.constant 1024 : i32
      %dma_start3A_243 = arith.constant 0 : i32
      %dma_start3A_244 = tpu.memref_slice %arg12[%dma_start3A_237, %dma_start3A_242, %dma_start3A_243] : memref<4x2048x128xf32, #tpu.memory_space<vmem>> -> memref<1x1024x128xf32, #tpu.memory_space<vmem>>
      %dma_start3A_245 = tpu.memref_squeeze %dma_start3A_244 : memref<1x1024x128xf32, #tpu.memory_space<vmem>> -> memref<1024x128xf32, #tpu.memory_space<vmem>>
      %dma_start3A_246 = arith.constant 5120 : i32
      %dma_start3A_247 = arith.constant 0 : i32
      %dma_start3A_248 = tpu.memref_slice %arg2[%dma_start3A_246, %dma_start3A_247] : memref<8192x128xf32, #tpu.memory_space<any>> -> memref<1024x128xf32, #tpu.memory_space<any>>
      tpu.enqueue_dma source(%dma_start3A_248 : memref<1024x128xf32, #tpu.memory_space<any>>) target(%dma_start3A_245 : memref<1024x128xf32, #tpu.memory_space<vmem>>) target_semaphore(%dma_start3A_241 : memref<!tpu.dma_semaphore, #tpu.memory_space<semaphore_mem>>)
    } else {
    }
    %add3A = arith.constant 3 : i32
    %add3A_2 = arith.addi %arg0, %add3A : i32
    %lt3A = arith.constant 4 : i32
    %lt3A_3 = arith.cmpi slt, %add3A_2, %lt3A : i32
    %convert_element_type3A_4 = arith.extui %lt3A_3 : i1 to i32
    %cond3A_5 = arith.constant 0 : i32
    %cond3A_6 = arith.cmpi ne, %convert_element_type3A_4, %cond3A_5 : i32
    scf.if %cond3A_6 {
      %rem3A_106 = arith.constant 4 : i32
      %rem3A_107 = arith.remsi %add3A_2, %rem3A_106 : i32
      %mul3A_108 = arith.constant 2048 : i32
      %mul3A_109 = arith.muli %add3A_2, %mul3A_108 : i32
      %mul3A_110 = arith.constant 2048 : i32
      %mul3A_111 = arith.muli %add3A_2, %mul3A_110 : i32
      %add3A_112 = arith.constant 1024 : i32
      %add3A_113 = arith.addi %mul3A_111, %add3A_112 : i32
      %mul3A_114 = arith.constant 2048 : i32
      %mul3A_115 = arith.muli %add3A_2, %mul3A_114 : i32
      %mul3A_116 = arith.constant 2048 : i32
      %mul3A_117 = arith.muli %add3A_2, %mul3A_116 : i32
      %add3A_118 = arith.constant 1024 : i32
      %add3A_119 = arith.addi %mul3A_117, %add3A_118 : i32
      %dma_start3A = arith.constant 0 : i32
      %dma_start3A_120 = tpu.memref_slice %arg13[%rem3A_107, %dma_start3A] : memref<4x2x!tpu.dma_semaphore, #tpu.memory_space<semaphore_mem>> -> memref<1x1x!tpu.dma_semaphore, #tpu.memory_space<semaphore_mem>>
      %dma_start3A_121 = tpu.memref_squeeze %dma_start3A_120 : memref<1x1x!tpu.dma_semaphore, #tpu.memory_space<semaphore_mem>> -> memref<!tpu.dma_semaphore, #tpu.memory_space<semaphore_mem>>
      %dma_start3A_122 = arith.constant 0 : i32
      %dma_start3A_123 = arith.constant 0 : i32
      %dma_start3A_124 = tpu.memref_slice %arg11[%rem3A_107, %dma_start3A_122, %dma_start3A_123] : memref<4x2048x128xf32, #tpu.memory_space<vmem>> -> memref<1x1024x128xf32, #tpu.memory_space<vmem>>
      %dma_start3A_125 = tpu.memref_squeeze %dma_start3A_124 : memref<1x1024x128xf32, #tpu.memory_space<vmem>> -> memref<1024x128xf32, #tpu.memory_space<vmem>>
      %dma_start3A_126 = arith.constant 0 : i32
      %dma_start3A_127 = tpu.memref_slice %arg1[%mul3A_109, %dma_start3A_126] : memref<8192x128xf32, #tpu.memory_space<any>> -> memref<1024x128xf32, #tpu.memory_space<any>>
      tpu.enqueue_dma source(%dma_start3A_127 : memref<1024x128xf32, #tpu.memory_space<any>>) target(%dma_start3A_125 : memref<1024x128xf32, #tpu.memory_space<vmem>>) target_semaphore(%dma_start3A_121 : memref<!tpu.dma_semaphore, #tpu.memory_space<semaphore_mem>>)
      %dma_start3A_128 = arith.constant 1 : i32
      %dma_start3A_129 = tpu.memref_slice %arg13[%rem3A_107, %dma_start3A_128] : memref<4x2x!tpu.dma_semaphore, #tpu.memory_space<semaphore_mem>> -> memref<1x1x!tpu.dma_semaphore, #tpu.memory_space<semaphore_mem>>
      %dma_start3A_130 = tpu.memref_squeeze %dma_start3A_129 : memref<1x1x!tpu.dma_semaphore, #tpu.memory_space<semaphore_mem>> -> memref<!tpu.dma_semaphore, #tpu.memory_space<semaphore_mem>>
      %dma_start3A_131 = arith.constant 1024 : i32
      %dma_start3A_132 = arith.constant 0 : i32
      %dma_start3A_133 = tpu.memref_slice %arg11[%rem3A_107, %dma_start3A_131, %dma_start3A_132] : memref<4x2048x128xf32, #tpu.memory_space<vmem>> -> memref<1x1024x128xf32, #tpu.memory_space<vmem>>
      %dma_start3A_134 = tpu.memref_squeeze %dma_start3A_133 : memref<1x1024x128xf32, #tpu.memory_space<vmem>> -> memref<1024x128xf32, #tpu.memory_space<vmem>>
      %dma_start3A_135 = arith.constant 0 : i32
      %dma_start3A_136 = tpu.memref_slice %arg1[%add3A_113, %dma_start3A_135] : memref<8192x128xf32, #tpu.memory_space<any>> -> memref<1024x128xf32, #tpu.memory_space<any>>
      tpu.enqueue_dma source(%dma_start3A_136 : memref<1024x128xf32, #tpu.memory_space<any>>) target(%dma_start3A_134 : memref<1024x128xf32, #tpu.memory_space<vmem>>) target_semaphore(%dma_start3A_130 : memref<!tpu.dma_semaphore, #tpu.memory_space<semaphore_mem>>)
      %dma_start3A_137 = arith.constant 0 : i32
      %dma_start3A_138 = tpu.memref_slice %arg14[%rem3A_107, %dma_start3A_137] : memref<4x2x!tpu.dma_semaphore, #tpu.memory_space<semaphore_mem>> -> memref<1x1x!tpu.dma_semaphore, #tpu.memory_space<semaphore_mem>>
      %dma_start3A_139 = tpu.memref_squeeze %dma_start3A_138 : memref<1x1x!tpu.dma_semaphore, #tpu.memory_space<semaphore_mem>> -> memref<!tpu.dma_semaphore, #tpu.memory_space<semaphore_mem>>
      %dma_start3A_140 = arith.constant 0 : i32
      %dma_start3A_141 = arith.constant 0 : i32
      %dma_start3A_142 = tpu.memref_slice %arg12[%rem3A_107, %dma_start3A_140, %dma_start3A_141] : memref<4x2048x128xf32, #tpu.memory_space<vmem>> -> memref<1x1024x128xf32, #tpu.memory_space<vmem>>
      %dma_start3A_143 = tpu.memref_squeeze %dma_start3A_142 : memref<1x1024x128xf32, #tpu.memory_space<vmem>> -> memref<1024x128xf32, #tpu.memory_space<vmem>>
      %dma_start3A_144 = arith.constant 0 : i32
      %dma_start3A_145 = tpu.memref_slice %arg2[%mul3A_115, %dma_start3A_144] : memref<8192x128xf32, #tpu.memory_space<any>> -> memref<1024x128xf32, #tpu.memory_space<any>>
      tpu.enqueue_dma source(%dma_start3A_145 : memref<1024x128xf32, #tpu.memory_space<any>>) target(%dma_start3A_143 : memref<1024x128xf32, #tpu.memory_space<vmem>>) target_semaphore(%dma_start3A_139 : memref<!tpu.dma_semaphore, #tpu.memory_space<semaphore_mem>>)
      %dma_start3A_146 = arith.constant 1 : i32
      %dma_start3A_147 = tpu.memref_slice %arg14[%rem3A_107, %dma_start3A_146] : memref<4x2x!tpu.dma_semaphore, #tpu.memory_space<semaphore_mem>> -> memref<1x1x!tpu.dma_semaphore, #tpu.memory_space<semaphore_mem>>
      %dma_start3A_148 = tpu.memref_squeeze %dma_start3A_147 : memref<1x1x!tpu.dma_semaphore, #tpu.memory_space<semaphore_mem>> -> memref<!tpu.dma_semaphore, #tpu.memory_space<semaphore_mem>>
      %dma_start3A_149 = arith.constant 1024 : i32
      %dma_start3A_150 = arith.constant 0 : i32
      %dma_start3A_151 = tpu.memref_slice %arg12[%rem3A_107, %dma_start3A_149, %dma_start3A_150] : memref<4x2048x128xf32, #tpu.memory_space<vmem>> -> memref<1x1024x128xf32, #tpu.memory_space<vmem>>
      %dma_start3A_152 = tpu.memref_squeeze %dma_start3A_151 : memref<1x1024x128xf32, #tpu.memory_space<vmem>> -> memref<1024x128xf32, #tpu.memory_space<vmem>>
      %dma_start3A_153 = arith.constant 0 : i32
      %dma_start3A_154 = tpu.memref_slice %arg2[%add3A_119, %dma_start3A_153] : memref<8192x128xf32, #tpu.memory_space<any>> -> memref<1024x128xf32, #tpu.memory_space<any>>
      tpu.enqueue_dma source(%dma_start3A_154 : memref<1024x128xf32, #tpu.memory_space<any>>) target(%dma_start3A_152 : memref<1024x128xf32, #tpu.memory_space<vmem>>) target_semaphore(%dma_start3A_148 : memref<!tpu.dma_semaphore, #tpu.memory_space<semaphore_mem>>)
    } else {
    }
    %rem3A = arith.constant 4 : i32
    %rem3A_7 = arith.remsi %arg0, %rem3A : i32
    %mul3A = arith.constant 2048 : i32
    %mul3A_8 = arith.muli %arg0, %mul3A : i32
    %mul3A_9 = arith.constant 2048 : i32
    %mul3A_10 = arith.muli %arg0, %mul3A_9 : i32
    %add3A_11 = arith.constant 1024 : i32
    %add3A_12 = arith.addi %mul3A_10, %add3A_11 : i32
    %mul3A_13 = arith.constant 2048 : i32
    %mul3A_14 = arith.muli %arg0, %mul3A_13 : i32
    %mul3A_15 = arith.constant 2048 : i32
    %mul3A_16 = arith.muli %arg0, %mul3A_15 : i32
    %add3A_17 = arith.constant 1024 : i32
    %add3A_18 = arith.addi %mul3A_16, %add3A_17 : i32
    %dma_wait3A = arith.constant 0 : i32
    %dma_wait3A_19 = tpu.memref_slice %arg13[%rem3A_7, %dma_wait3A] : memref<4x2x!tpu.dma_semaphore, #tpu.memory_space<semaphore_mem>> -> memref<1x1x!tpu.dma_semaphore, #tpu.memory_space<semaphore_mem>>
    %dma_wait3A_20 = tpu.memref_squeeze %dma_wait3A_19 : memref<1x1x!tpu.dma_semaphore, #tpu.memory_space<semaphore_mem>> -> memref<!tpu.dma_semaphore, #tpu.memory_space<semaphore_mem>>
    %dma_wait3A_21 = arith.constant 0 : i32
    %dma_wait3A_22 = arith.constant 0 : i32
    %dma_wait3A_23 = tpu.memref_slice %arg11[%rem3A_7, %dma_wait3A_21, %dma_wait3A_22] : memref<4x2048x128xf32, #tpu.memory_space<vmem>> -> memref<1x1024x128xf32, #tpu.memory_space<vmem>>
    %dma_wait3A_24 = tpu.memref_squeeze %dma_wait3A_23 : memref<1x1024x128xf32, #tpu.memory_space<vmem>> -> memref<1024x128xf32, #tpu.memory_space<vmem>>
    %dma_wait3A_25 = arith.constant 0 : i32
    %dma_wait3A_26 = tpu.memref_slice %arg1[%mul3A_8, %dma_wait3A_25] : memref<8192x128xf32, #tpu.memory_space<any>> -> memref<1024x128xf32, #tpu.memory_space<any>>
    tpu.wait_dma2 semaphore(%dma_wait3A_20 : memref<!tpu.dma_semaphore, #tpu.memory_space<semaphore_mem>>) src(%dma_wait3A_26 : memref<1024x128xf32, #tpu.memory_space<any>>) dst(%dma_wait3A_24 : memref<1024x128xf32, #tpu.memory_space<vmem>>)
    %dma_wait3A_27 = arith.constant 1 : i32
    %dma_wait3A_28 = tpu.memref_slice %arg13[%rem3A_7, %dma_wait3A_27] : memref<4x2x!tpu.dma_semaphore, #tpu.memory_space<semaphore_mem>> -> memref<1x1x!tpu.dma_semaphore, #tpu.memory_space<semaphore_mem>>
    %dma_wait3A_29 = tpu.memref_squeeze %dma_wait3A_28 : memref<1x1x!tpu.dma_semaphore, #tpu.memory_space<semaphore_mem>> -> memref<!tpu.dma_semaphore, #tpu.memory_space<semaphore_mem>>
    %dma_wait3A_30 = arith.constant 1024 : i32
    %dma_wait3A_31 = arith.constant 0 : i32
    %dma_wait3A_32 = tpu.memref_slice %arg11[%rem3A_7, %dma_wait3A_30, %dma_wait3A_31] : memref<4x2048x128xf32, #tpu.memory_space<vmem>> -> memref<1x1024x128xf32, #tpu.memory_space<vmem>>
    %dma_wait3A_33 = tpu.memref_squeeze %dma_wait3A_32 : memref<1x1024x128xf32, #tpu.memory_space<vmem>> -> memref<1024x128xf32, #tpu.memory_space<vmem>>
    %dma_wait3A_34 = arith.constant 0 : i32
    %dma_wait3A_35 = tpu.memref_slice %arg1[%add3A_12, %dma_wait3A_34] : memref<8192x128xf32, #tpu.memory_space<any>> -> memref<1024x128xf32, #tpu.memory_space<any>>
    tpu.wait_dma2 semaphore(%dma_wait3A_29 : memref<!tpu.dma_semaphore, #tpu.memory_space<semaphore_mem>>) src(%dma_wait3A_35 : memref<1024x128xf32, #tpu.memory_space<any>>) dst(%dma_wait3A_33 : memref<1024x128xf32, #tpu.memory_space<vmem>>)
    %dma_wait3A_36 = arith.constant 0 : i32
    %dma_wait3A_37 = tpu.memref_slice %arg14[%rem3A_7, %dma_wait3A_36] : memref<4x2x!tpu.dma_semaphore, #tpu.memory_space<semaphore_mem>> -> memref<1x1x!tpu.dma_semaphore, #tpu.memory_space<semaphore_mem>>
    %dma_wait3A_38 = tpu.memref_squeeze %dma_wait3A_37 : memref<1x1x!tpu.dma_semaphore, #tpu.memory_space<semaphore_mem>> -> memref<!tpu.dma_semaphore, #tpu.memory_space<semaphore_mem>>
    %dma_wait3A_39 = arith.constant 0 : i32
    %dma_wait3A_40 = arith.constant 0 : i32
    %dma_wait3A_41 = tpu.memref_slice %arg12[%rem3A_7, %dma_wait3A_39, %dma_wait3A_40] : memref<4x2048x128xf32, #tpu.memory_space<vmem>> -> memref<1x1024x128xf32, #tpu.memory_space<vmem>>
    %dma_wait3A_42 = tpu.memref_squeeze %dma_wait3A_41 : memref<1x1024x128xf32, #tpu.memory_space<vmem>> -> memref<1024x128xf32, #tpu.memory_space<vmem>>
    %dma_wait3A_43 = arith.constant 0 : i32
    %dma_wait3A_44 = tpu.memref_slice %arg2[%mul3A_14, %dma_wait3A_43] : memref<8192x128xf32, #tpu.memory_space<any>> -> memref<1024x128xf32, #tpu.memory_space<any>>
    tpu.wait_dma2 semaphore(%dma_wait3A_38 : memref<!tpu.dma_semaphore, #tpu.memory_space<semaphore_mem>>) src(%dma_wait3A_44 : memref<1024x128xf32, #tpu.memory_space<any>>) dst(%dma_wait3A_42 : memref<1024x128xf32, #tpu.memory_space<vmem>>)
    %dma_wait3A_45 = arith.constant 1 : i32
    %dma_wait3A_46 = tpu.memref_slice %arg14[%rem3A_7, %dma_wait3A_45] : memref<4x2x!tpu.dma_semaphore, #tpu.memory_space<semaphore_mem>> -> memref<1x1x!tpu.dma_semaphore, #tpu.memory_space<semaphore_mem>>
    %dma_wait3A_47 = tpu.memref_squeeze %dma_wait3A_46 : memref<1x1x!tpu.dma_semaphore, #tpu.memory_space<semaphore_mem>> -> memref<!tpu.dma_semaphore, #tpu.memory_space<semaphore_mem>>
    %dma_wait3A_48 = arith.constant 1024 : i32
    %dma_wait3A_49 = arith.constant 0 : i32
    %dma_wait3A_50 = tpu.memref_slice %arg12[%rem3A_7, %dma_wait3A_48, %dma_wait3A_49] : memref<4x2048x128xf32, #tpu.memory_space<vmem>> -> memref<1x1024x128xf32, #tpu.memory_space<vmem>>
    %dma_wait3A_51 = tpu.memref_squeeze %dma_wait3A_50 : memref<1x1024x128xf32, #tpu.memory_space<vmem>> -> memref<1024x128xf32, #tpu.memory_space<vmem>>
    %dma_wait3A_52 = arith.constant 0 : i32
    %dma_wait3A_53 = tpu.memref_slice %arg2[%add3A_18, %dma_wait3A_52] : memref<8192x128xf32, #tpu.memory_space<any>> -> memref<1024x128xf32, #tpu.memory_space<any>>
    tpu.wait_dma2 semaphore(%dma_wait3A_47 : memref<!tpu.dma_semaphore, #tpu.memory_space<semaphore_mem>>) src(%dma_wait3A_53 : memref<1024x128xf32, #tpu.memory_space<any>>) dst(%dma_wait3A_51 : memref<1024x128xf32, #tpu.memory_space<vmem>>)
    %get3A = arith.index_cast %rem3A_7 : i32 to index
    %get3A_54 = arith.constant 0 : index
    %get3A_55 = arith.constant 0 : index
    %get3A_56 = vector.load %arg11[%get3A, %get3A_54, %get3A_55] : memref<4x2048x128xf32, #tpu.memory_space<vmem>>, vector<1x2048x128xf32>
    %get3A_57 = vector.shape_cast %get3A_56 : vector<1x2048x128xf32> to vector<2048x128xf32>
    %get3A_58 = arith.constant 0 : index
    %get3A_59 = arith.constant 0 : index
    %get3A_60 = vector.load %arg3[%get3A_58, %get3A_59] : memref<256x64xf32, #tpu.memory_space<vmem>>, vector<128x64xf32>
    %dot_general3A = arith.constant dense<0.000000e+00> : vector<2048x64xf32>
    %dot_general3A_61 = tpu.matmul %get3A_57, %get3A_60, %dot_general3A {dimension_numbers = #tpu.dot_dimension_numbers<[1], [0], [0], [1], [0, 0, 1, 1], [], []>, transpose_lhs_hint = false} : vector<2048x128xf32>, vector<128x64xf32>, vector<2048x64xf32> -> vector<2048x64xf32>
    %get3A_62 = arith.index_cast %rem3A_7 : i32 to index
    %get3A_63 = arith.constant 0 : index
    %get3A_64 = arith.constant 0 : index
    %get3A_65 = vector.load %arg12[%get3A_62, %get3A_63, %get3A_64] : memref<4x2048x128xf32, #tpu.memory_space<vmem>>, vector<1x2048x128xf32>
    %get3A_66 = vector.shape_cast %get3A_65 : vector<1x2048x128xf32> to vector<2048x128xf32>
    %get3A_67 = arith.constant 128 : index
    %get3A_68 = arith.constant 0 : index
    %get3A_69 = vector.load %arg3[%get3A_67, %get3A_68] : memref<256x64xf32, #tpu.memory_space<vmem>>, vector<128x64xf32>
    %dot_general3A_70 = arith.constant dense<0.000000e+00> : vector<2048x64xf32>
    %dot_general3A_71 = tpu.matmul %get3A_66, %get3A_69, %dot_general3A_70 {dimension_numbers = #tpu.dot_dimension_numbers<[1], [0], [0], [1], [0, 0, 1, 1], [], []>, transpose_lhs_hint = false} : vector<2048x128xf32>, vector<128x64xf32>, vector<2048x64xf32> -> vector<2048x64xf32>
    %add3A_72 = arith.addf %dot_general3A_61, %dot_general3A_71 : vector<2048x64xf32>
    %get3A_73 = arith.constant 0 : index
    %get3A_74 = vector.load %arg4[%get3A_73] : memref<64xf32, #tpu.memory_space<vmem>>, vector<64xf32>
    %broadcast_in_dim3A = vector.shape_cast %get3A_74 : vector<64xf32> to vector<1x64xf32>
    %add3A_75 = vector.broadcast %broadcast_in_dim3A : vector<1x64xf32> to vector<2048x64xf32>
    %add3A_76 = arith.addf %add3A_72, %add3A_75 : vector<2048x64xf32>
    %max3A = arith.constant 0.000000e+00 : f32
    %max3A_77 = vector.broadcast %max3A : f32 to vector<2048x64xf32>
    %max3A_78 = arith.maximumf %add3A_76, %max3A_77 : vector<2048x64xf32>
    %get3A_79 = arith.constant 0 : index
    %get3A_80 = arith.constant 0 : index
    %get3A_81 = vector.load %arg5[%get3A_79, %get3A_80] : memref<64x16xf32, #tpu.memory_space<vmem>>, vector<64x16xf32>
    %dot_general3A_82 = arith.constant dense<0.000000e+00> : vector<16x2048xf32>
    %dot_general3A_83 = tpu.matmul %get3A_81, %max3A_78, %dot_general3A_82 {dimension_numbers = #tpu.dot_dimension_numbers<[0], [1], [1], [0], [0, 1, 1, 0], [], []>, transpose_lhs_hint = false} : vector<64x16xf32>, vector<2048x64xf32>, vector<16x2048xf32> -> vector<16x2048xf32>
    %get3A_84 = arith.constant 0 : index
    %get3A_85 = arith.constant 0 : index
    %get3A_86 = vector.load %arg6[%get3A_84, %get3A_85] : memref<16x1xf32, #tpu.memory_space<vmem>>, vector<16x1xf32>
    %add3A_87 = vector.broadcast %get3A_86 : vector<16x1xf32> to vector<16x2048xf32>
    %add3A_88 = arith.addf %dot_general3A_83, %add3A_87 : vector<16x2048xf32>
    %max3A_89 = arith.constant 0.000000e+00 : f32
    %max3A_90 = vector.broadcast %max3A_89 : f32 to vector<16x2048xf32>
    %max3A_91 = arith.maximumf %add3A_88, %max3A_90 : vector<16x2048xf32>
    %get3A_92 = arith.constant 0 : index
    %get3A_93 = arith.constant 0 : index
    %get3A_94 = vector.load %arg7[%get3A_92, %get3A_93] : memref<16x1xf32, #tpu.memory_space<vmem>>, vector<16x1xf32>
    %dot_general3A_95 = arith.constant dense<0.000000e+00> : vector<1x2048xf32>
    %dot_general3A_96 = tpu.matmul %get3A_94, %max3A_91, %dot_general3A_95 {dimension_numbers = #tpu.dot_dimension_numbers<[0], [0], [1], [1], [0, 1, 1, 1], [], []>, transpose_lhs_hint = false} : vector<16x1xf32>, vector<16x2048xf32>, vector<1x2048xf32> -> vector<1x2048xf32>
    %get3A_97 = arith.constant 0 : index
    %get3A_98 = arith.constant 0 : index
    %get3A_99 = vector.load %arg8[%get3A_97, %get3A_98] : memref<1x1xf32, #tpu.memory_space<vmem>>, vector<1x1xf32>
    %add3A_100 = vector.broadcast %get3A_99 : vector<1x1xf32> to vector<1x2048xf32>
    %add3A_101 = arith.addf %dot_general3A_96, %add3A_100 : vector<1x2048xf32>
    %max3A_102 = arith.constant 0.000000e+00 : f32
    %max3A_103 = vector.broadcast %max3A_102 : f32 to vector<1x2048xf32>
    %max3A_104 = arith.maximumf %add3A_101, %max3A_103 : vector<1x2048xf32>
    %squeeze3A = vector.shape_cast %max3A_104 : vector<1x2048xf32> to vector<2048xf32>
    %swap3A = arith.constant 0 : index
    %swap3A_105 = vector.load %arg10[%swap3A] : memref<2048xf32, #tpu.memory_space<vmem>>, vector<2048xf32>
    tpu.vector_store %arg10[%swap3A], %squeeze3A {strides = array<i32>} : memref<2048xf32, #tpu.memory_space<vmem>>, vector<2048xf32>,
    return
  }
  func.func @transform_2(%arg0: i32) -> (i32, i32) {
    %c0_i32 = arith.constant 0 : i32
    %c0_i32_0 = arith.constant 0 : i32
    %c0_i32_1 = arith.constant 0 : i32
    return %c0_i32, %c0_i32_0 : i32, i32
  }
  func.func @transform_3(%arg0: i32) -> i32 {
    %c0_i32 = arith.constant 0 : i32
    %c0_i32_0 = arith.constant 0 : i32
    return %c0_i32 : i32
  }
  func.func @transform_4(%arg0: i32) -> (i32, i32) {
    %c0_i32 = arith.constant 0 : i32
    %c0_i32_0 = arith.constant 0 : i32
    %c0_i32_1 = arith.constant 0 : i32
    return %c0_i32, %c0_i32_0 : i32, i32
  }
  func.func @transform_5(%arg0: i32) -> (i32, i32) {
    %c0_i32 = arith.constant 0 : i32
    %c0_i32_0 = arith.constant 0 : i32
    %c0_i32_1 = arith.constant 0 : i32
    return %c0_i32, %c0_i32_0 : i32, i32
  }
  func.func @transform_6(%arg0: i32) -> (i32, i32) {
    %c0_i32 = arith.constant 0 : i32
    %c0_i32_0 = arith.constant 0 : i32
    %c0_i32_1 = arith.constant 0 : i32
    return %c0_i32, %c0_i32_0 : i32, i32
  }
  func.func @transform_7(%arg0: i32) -> (i32, i32) {
    %c0_i32 = arith.constant 0 : i32
    %c0_i32_0 = arith.constant 0 : i32
    %c0_i32_1 = arith.constant 0 : i32
    return %c0_i32, %c0_i32_0 : i32, i32
  }
  func.func @transform_9(%arg0: i32) -> i32 {
    %add3A = arith.constant 4 : i32
    %add3A_0 = arith.addi %arg0, %add3A : i32
    %c0_i32 = arith.constant 0 : i32
    return %add3A_0 : i32
  }
}

module attributes {stable_mosaic.version = 14 : i64} {
  func.func @_mlp_body(%arg0: i32, %arg1: memref<8192x128xf32, #tpu.memory_space<any>>, %arg2: memref<8192x128xf32, #tpu.memory_space<any>>, %arg3: memref<256x64xf32, #tpu.memory_space<vmem>>, %arg4: memref<64xf32, #tpu.memory_space<vmem>>, %arg5: memref<64x16xf32, #tpu.memory_space<vmem>>, %arg6: memref<16x1xf32, #tpu.memory_space<vmem>>, %arg7: memref<16x1xf32, #tpu.memory_space<vmem>>, %arg8: memref<1x1xf32, #tpu.memory_space<vmem>>, %arg9: memref<2048xf32, #tpu.memory_space<vmem>>, %arg10: memref<4x2048x128xf32, #tpu.memory_space<vmem>>, %arg11: memref<4x2048x128xf32, #tpu.memory_space<vmem>>, %arg12: memref<4x2x!tpu.dma_semaphore, #tpu.memory_space<semaphore_mem>>, %arg13: memref<4x2x!tpu.dma_semaphore, #tpu.memory_space<semaphore_mem>>) attributes {dimension_semantics = [#tpu.dimension_semantics<arbitrary>], iteration_bounds = array<i64: 4>, scalar_prefetch = 0 : i64, scratch_operands = 4 : i64, tpu.core_type = #tpu.core_type<tc>, window_params = [{}, {}, {pipeline_mode = #tpu.pipeline_mode<synchronous>, transform_indices = @transform_2, window_bounds = array<i64: 256, 64>}, {pipeline_mode = #tpu.pipeline_mode<synchronous>, transform_indices = @transform_3, window_bounds = array<i64: 64>}, {pipeline_mode = #tpu.pipeline_mode<synchronous>, transform_indices = @transform_4, window_bounds = array<i64: 64, 16>}, {pipeline_mode = #tpu.pipeline_mode<synchronous>, transform_indices = @transform_5, window_bounds = array<i64: 16, 1>}, {pipeline_mode = #tpu.pipeline_mode<synchronous>, transform_indices = @transform_6, window_bounds = array<i64: 16, 1>}, {pipeline_mode = #tpu.pipeline_mode<synchronous>, transform_indices = @transform_7, window_bounds = array<i64: 1, 1>}, {transform_indices = @transform_8, window_bounds = array<i64: 2048>}]} {
    %eq3A = arith.constant 0 : i32
    %eq3A_0 = arith.cmpi eq, %arg0, %eq3A : i32
    %convert_element_type3A = arith.extui %eq3A_0 : i1 to i32
    %cond3A = arith.constant 0 : i32
    %cond3A_1 = arith.cmpi ne, %convert_element_type3A, %cond3A : i32
    scf.if %cond3A_1 {
      %dma_start3A = arith.constant 0 : i32
      %dma_start3A_106 = arith.constant 0 : i32
      %dma_start3A_107 = arith.constant 0 : i32
      %dma_start3A_108 = tpu.memref_slice %arg12[%dma_start3A_106, %dma_start3A_107] : memref<4x2x!tpu.dma_semaphore, #tpu.memory_space<semaphore_mem>> -> memref<1x1x!tpu.dma_semaphore, #tpu.memory_space<semaphore_mem>>
      %dma_start3A_109 = tpu.memref_squeeze %dma_start3A_108 : memref<1x1x!tpu.dma_semaphore, #tpu.memory_space<semaphore_mem>> -> memref<!tpu.dma_semaphore, #tpu.memory_space<semaphore_mem>>
      %dma_start3A_110 = arith.constant 0 : i32
      %dma_start3A_111 = arith.constant 0 : i32
      %dma_start3A_112 = tpu.memref_slice %arg10[%dma_start3A, %dma_start3A_110, %dma_start3A_111] : memref<4x2048x128xf32, #tpu.memory_space<vmem>> -> memref<1x1024x128xf32, #tpu.memory_space<vmem>>
      %dma_start3A_113 = tpu.memref_squeeze %dma_start3A_112 : memref<1x1024x128xf32, #tpu.memory_space<vmem>> -> memref<1024x128xf32, #tpu.memory_space<vmem>>
      %dma_start3A_114 = arith.constant 0 : i32
      %dma_start3A_115 = arith.constant 0 : i32
      %dma_start3A_116 = tpu.memref_slice %arg1[%dma_start3A_114, %dma_start3A_115] : memref<8192x128xf32, #tpu.memory_space<any>> -> memref<1024x128xf32, #tpu.memory_space<any>>
      tpu.enqueue_dma source(%dma_start3A_116 : memref<1024x128xf32, #tpu.memory_space<any>>) target(%dma_start3A_113 : memref<1024x128xf32, #tpu.memory_space<vmem>>) target_semaphore(%dma_start3A_109 : memref<!tpu.dma_semaphore, #tpu.memory_space<semaphore_mem>>)
      %dma_start3A_117 = arith.constant 0 : i32
      %dma_start3A_118 = arith.constant 0 : i32
      %dma_start3A_119 = arith.constant 1 : i32
      %dma_start3A_120 = tpu.memref_slice %arg12[%dma_start3A_118, %dma_start3A_119] : memref<4x2x!tpu.dma_semaphore, #tpu.memory_space<semaphore_mem>> -> memref<1x1x!tpu.dma_semaphore, #tpu.memory_space<semaphore_mem>>
      %dma_start3A_121 = tpu.memref_squeeze %dma_start3A_120 : memref<1x1x!tpu.dma_semaphore, #tpu.memory_space<semaphore_mem>> -> memref<!tpu.dma_semaphore, #tpu.memory_space<semaphore_mem>>
      %dma_start3A_122 = arith.constant 1024 : i32
      %dma_start3A_123 = arith.constant 0 : i32
      %dma_start3A_124 = tpu.memref_slice %arg10[%dma_start3A_117, %dma_start3A_122, %dma_start3A_123] : memref<4x2048x128xf32, #tpu.memory_space<vmem>> -> memref<1x1024x128xf32, #tpu.memory_space<vmem>>
      %dma_start3A_125 = tpu.memref_squeeze %dma_start3A_124 : memref<1x1024x128xf32, #tpu.memory_space<vmem>> -> memref<1024x128xf32, #tpu.memory_space<vmem>>
      %dma_start3A_126 = arith.constant 1024 : i32
      %dma_start3A_127 = arith.constant 0 : i32
      %dma_start3A_128 = tpu.memref_slice %arg1[%dma_start3A_126, %dma_start3A_127] : memref<8192x128xf32, #tpu.memory_space<any>> -> memref<1024x128xf32, #tpu.memory_space<any>>
      tpu.enqueue_dma source(%dma_start3A_128 : memref<1024x128xf32, #tpu.memory_space<any>>) target(%dma_start3A_125 : memref<1024x128xf32, #tpu.memory_space<vmem>>) target_semaphore(%dma_start3A_121 : memref<!tpu.dma_semaphore, #tpu.memory_space<semaphore_mem>>)
      %dma_start3A_129 = arith.constant 0 : i32
      %dma_start3A_130 = arith.constant 0 : i32
      %dma_start3A_131 = arith.constant 0 : i32
      %dma_start3A_132 = tpu.memref_slice %arg13[%dma_start3A_130, %dma_start3A_131] : memref<4x2x!tpu.dma_semaphore, #tpu.memory_space<semaphore_mem>> -> memref<1x1x!tpu.dma_semaphore, #tpu.memory_space<semaphore_mem>>
      %dma_start3A_133 = tpu.memref_squeeze %dma_start3A_132 : memref<1x1x!tpu.dma_semaphore, #tpu.memory_space<semaphore_mem>> -> memref<!tpu.dma_semaphore, #tpu.memory_space<semaphore_mem>>
      %dma_start3A_134 = arith.constant 0 : i32
      %dma_start3A_135 = arith.constant 0 : i32
      %dma_start3A_136 = tpu.memref_slice %arg11[%dma_start3A_129, %dma_start3A_134, %dma_start3A_135] : memref<4x2048x128xf32, #tpu.memory_space<vmem>> -> memref<1x1024x128xf32, #tpu.memory_space<vmem>>
      %dma_start3A_137 = tpu.memref_squeeze %dma_start3A_136 : memref<1x1024x128xf32, #tpu.memory_space<vmem>> -> memref<1024x128xf32, #tpu.memory_space<vmem>>
      %dma_start3A_138 = arith.constant 0 : i32
      %dma_start3A_139 = arith.constant 0 : i32
      %dma_start3A_140 = tpu.memref_slice %arg2[%dma_start3A_138, %dma_start3A_139] : memref<8192x128xf32, #tpu.memory_space<any>> -> memref<1024x128xf32, #tpu.memory_space<any>>
      tpu.enqueue_dma source(%dma_start3A_140 : memref<1024x128xf32, #tpu.memory_space<any>>) target(%dma_start3A_137 : memref<1024x128xf32, #tpu.memory_space<vmem>>) target_semaphore(%dma_start3A_133 : memref<!tpu.dma_semaphore, #tpu.memory_space<semaphore_mem>>)
      %dma_start3A_141 = arith.constant 0 : i32
      %dma_start3A_142 = arith.constant 0 : i32
      %dma_start3A_143 = arith.constant 1 : i32
      %dma_start3A_144 = tpu.memref_slice %arg13[%dma_start3A_142, %dma_start3A_143] : memref<4x2x!tpu.dma_semaphore, #tpu.memory_space<semaphore_mem>> -> memref<1x1x!tpu.dma_semaphore, #tpu.memory_space<semaphore_mem>>
      %dma_start3A_145 = tpu.memref_squeeze %dma_start3A_144 : memref<1x1x!tpu.dma_semaphore, #tpu.memory_space<semaphore_mem>> -> memref<!tpu.dma_semaphore, #tpu.memory_space<semaphore_mem>>
      %dma_start3A_146 = arith.constant 1024 : i32
      %dma_start3A_147 = arith.constant 0 : i32
      %dma_start3A_148 = tpu.memref_slice %arg11[%dma_start3A_141, %dma_start3A_146, %dma_start3A_147] : memref<4x2048x128xf32, #tpu.memory_space<vmem>> -> memref<1x1024x128xf32, #tpu.memory_space<vmem>>
      %dma_start3A_149 = tpu.memref_squeeze %dma_start3A_148 : memref<1x1024x128xf32, #tpu.memory_space<vmem>> -> memref<1024x128xf32, #tpu.memory_space<vmem>>
      %dma_start3A_150 = arith.constant 1024 : i32
      %dma_start3A_151 = arith.constant 0 : i32
      %dma_start3A_152 = tpu.memref_slice %arg2[%dma_start3A_150, %dma_start3A_151] : memref<8192x128xf32, #tpu.memory_space<any>> -> memref<1024x128xf32, #tpu.memory_space<any>>
      tpu.enqueue_dma source(%dma_start3A_152 : memref<1024x128xf32, #tpu.memory_space<any>>) target(%dma_start3A_149 : memref<1024x128xf32, #tpu.memory_space<vmem>>) target_semaphore(%dma_start3A_145 : memref<!tpu.dma_semaphore, #tpu.memory_space<semaphore_mem>>)
      %dma_start3A_153 = arith.constant 1 : i32
      %dma_start3A_154 = arith.constant 1 : i32
      %dma_start3A_155 = arith.constant 0 : i32
      %dma_start3A_156 = tpu.memref_slice %arg12[%dma_start3A_154, %dma_start3A_155] : memref<4x2x!tpu.dma_semaphore, #tpu.memory_space<semaphore_mem>> -> memref<1x1x!tpu.dma_semaphore, #tpu.memory_space<semaphore_mem>>
      %dma_start3A_157 = tpu.memref_squeeze %dma_start3A_156 : memref<1x1x!tpu.dma_semaphore, #tpu.memory_space<semaphore_mem>> -> memref<!tpu.dma_semaphore, #tpu.memory_space<semaphore_mem>>
      %dma_start3A_158 = arith.constant 0 : i32
      %dma_start3A_159 = arith.constant 0 : i32
      %dma_start3A_160 = tpu.memref_slice %arg10[%dma_start3A_153, %dma_start3A_158, %dma_start3A_159] : memref<4x2048x128xf32, #tpu.memory_space<vmem>> -> memref<1x1024x128xf32, #tpu.memory_space<vmem>>
      %dma_start3A_161 = tpu.memref_squeeze %dma_start3A_160 : memref<1x1024x128xf32, #tpu.memory_space<vmem>> -> memref<1024x128xf32, #tpu.memory_space<vmem>>
      %dma_start3A_162 = arith.constant 2048 : i32
      %dma_start3A_163 = arith.constant 0 : i32
      %dma_start3A_164 = tpu.memref_slice %arg1[%dma_start3A_162, %dma_start3A_163] : memref<8192x128xf32, #tpu.memory_space<any>> -> memref<1024x128xf32, #tpu.memory_space<any>>
      tpu.enqueue_dma source(%dma_start3A_164 : memref<1024x128xf32, #tpu.memory_space<any>>) target(%dma_start3A_161 : memref<1024x128xf32, #tpu.memory_space<vmem>>) target_semaphore(%dma_start3A_157 : memref<!tpu.dma_semaphore, #tpu.memory_space<semaphore_mem>>)
      %dma_start3A_165 = arith.constant 1 : i32
      %dma_start3A_166 = arith.constant 1 : i32
      %dma_start3A_167 = arith.constant 1 : i32
      %dma_start3A_168 = tpu.memref_slice %arg12[%dma_start3A_166, %dma_start3A_167] : memref<4x2x!tpu.dma_semaphore, #tpu.memory_space<semaphore_mem>> -> memref<1x1x!tpu.dma_semaphore, #tpu.memory_space<semaphore_mem>>
      %dma_start3A_169 = tpu.memref_squeeze %dma_start3A_168 : memref<1x1x!tpu.dma_semaphore, #tpu.memory_space<semaphore_mem>> -> memref<!tpu.dma_semaphore, #tpu.memory_space<semaphore_mem>>
      %dma_start3A_170 = arith.constant 1024 : i32
      %dma_start3A_171 = arith.constant 0 : i32
      %dma_start3A_172 = tpu.memref_slice %arg10[%dma_start3A_165, %dma_start3A_170, %dma_start3A_171] : memref<4x2048x128xf32, #tpu.memory_space<vmem>> -> memref<1x1024x128xf32, #tpu.memory_space<vmem>>
      %dma_start3A_173 = tpu.memref_squeeze %dma_start3A_172 : memref<1x1024x128xf32, #tpu.memory_space<vmem>> -> memref<1024x128xf32, #tpu.memory_space<vmem>>
      %dma_start3A_174 = arith.constant 3072 : i32
      %dma_start3A_175 = arith.constant 0 : i32
      %dma_start3A_176 = tpu.memref_slice %arg1[%dma_start3A_174, %dma_start3A_175] : memref<8192x128xf32, #tpu.memory_space<any>> -> memref<1024x128xf32, #tpu.memory_space<any>>
      tpu.enqueue_dma source(%dma_start3A_176 : memref<1024x128xf32, #tpu.memory_space<any>>) target(%dma_start3A_173 : memref<1024x128xf32, #tpu.memory_space<vmem>>) target_semaphore(%dma_start3A_169 : memref<!tpu.dma_semaphore, #tpu.memory_space<semaphore_mem>>)
      %dma_start3A_177 = arith.constant 1 : i32
      %dma_start3A_178 = arith.constant 1 : i32
      %dma_start3A_179 = arith.constant 0 : i32
      %dma_start3A_180 = tpu.memref_slice %arg13[%dma_start3A_178, %dma_start3A_179] : memref<4x2x!tpu.dma_semaphore, #tpu.memory_space<semaphore_mem>> -> memref<1x1x!tpu.dma_semaphore, #tpu.memory_space<semaphore_mem>>
      %dma_start3A_181 = tpu.memref_squeeze %dma_start3A_180 : memref<1x1x!tpu.dma_semaphore, #tpu.memory_space<semaphore_mem>> -> memref<!tpu.dma_semaphore, #tpu.memory_space<semaphore_mem>>
      %dma_start3A_182 = arith.constant 0 : i32
      %dma_start3A_183 = arith.constant 0 : i32
      %dma_start3A_184 = tpu.memref_slice %arg11[%dma_start3A_177, %dma_start3A_182, %dma_start3A_183] : memref<4x2048x128xf32, #tpu.memory_space<vmem>> -> memref<1x1024x128xf32, #tpu.memory_space<vmem>>
      %dma_start3A_185 = tpu.memref_squeeze %dma_start3A_184 : memref<1x1024x128xf32, #tpu.memory_space<vmem>> -> memref<1024x128xf32, #tpu.memory_space<vmem>>
      %dma_start3A_186 = arith.constant 2048 : i32
      %dma_start3A_187 = arith.constant 0 : i32
      %dma_start3A_188 = tpu.memref_slice %arg2[%dma_start3A_186, %dma_start3A_187] : memref<8192x128xf32, #tpu.memory_space<any>> -> memref<1024x128xf32, #tpu.memory_space<any>>
      tpu.enqueue_dma source(%dma_start3A_188 : memref<1024x128xf32, #tpu.memory_space<any>>) target(%dma_start3A_185 : memref<1024x128xf32, #tpu.memory_space<vmem>>) target_semaphore(%dma_start3A_181 : memref<!tpu.dma_semaphore, #tpu.memory_space<semaphore_mem>>)
      %dma_start3A_189 = arith.constant 1 : i32
      %dma_start3A_190 = arith.constant 1 : i32
      %dma_start3A_191 = arith.constant 1 : i32
      %dma_start3A_192 = tpu.memref_slice %arg13[%dma_start3A_190, %dma_start3A_191] : memref<4x2x!tpu.dma_semaphore, #tpu.memory_space<semaphore_mem>> -> memref<1x1x!tpu.dma_semaphore, #tpu.memory_space<semaphore_mem>>
      %dma_start3A_193 = tpu.memref_squeeze %dma_start3A_192 : memref<1x1x!tpu.dma_semaphore, #tpu.memory_space<semaphore_mem>> -> memref<!tpu.dma_semaphore, #tpu.memory_space<semaphore_mem>>
      %dma_start3A_194 = arith.constant 1024 : i32
      %dma_start3A_195 = arith.constant 0 : i32
      %dma_start3A_196 = tpu.memref_slice %arg11[%dma_start3A_189, %dma_start3A_194, %dma_start3A_195] : memref<4x2048x128xf32, #tpu.memory_space<vmem>> -> memref<1x1024x128xf32, #tpu.memory_space<vmem>>
      %dma_start3A_197 = tpu.memref_squeeze %dma_start3A_196 : memref<1x1024x128xf32, #tpu.memory_space<vmem>> -> memref<1024x128xf32, #tpu.memory_space<vmem>>
      %dma_start3A_198 = arith.constant 3072 : i32
      %dma_start3A_199 = arith.constant 0 : i32
      %dma_start3A_200 = tpu.memref_slice %arg2[%dma_start3A_198, %dma_start3A_199] : memref<8192x128xf32, #tpu.memory_space<any>> -> memref<1024x128xf32, #tpu.memory_space<any>>
      tpu.enqueue_dma source(%dma_start3A_200 : memref<1024x128xf32, #tpu.memory_space<any>>) target(%dma_start3A_197 : memref<1024x128xf32, #tpu.memory_space<vmem>>) target_semaphore(%dma_start3A_193 : memref<!tpu.dma_semaphore, #tpu.memory_space<semaphore_mem>>)
      %dma_start3A_201 = arith.constant 2 : i32
      %dma_start3A_202 = arith.constant 2 : i32
      %dma_start3A_203 = arith.constant 0 : i32
      %dma_start3A_204 = tpu.memref_slice %arg12[%dma_start3A_202, %dma_start3A_203] : memref<4x2x!tpu.dma_semaphore, #tpu.memory_space<semaphore_mem>> -> memref<1x1x!tpu.dma_semaphore, #tpu.memory_space<semaphore_mem>>
      %dma_start3A_205 = tpu.memref_squeeze %dma_start3A_204 : memref<1x1x!tpu.dma_semaphore, #tpu.memory_space<semaphore_mem>> -> memref<!tpu.dma_semaphore, #tpu.memory_space<semaphore_mem>>
      %dma_start3A_206 = arith.constant 0 : i32
      %dma_start3A_207 = arith.constant 0 : i32
      %dma_start3A_208 = tpu.memref_slice %arg10[%dma_start3A_201, %dma_start3A_206, %dma_start3A_207] : memref<4x2048x128xf32, #tpu.memory_space<vmem>> -> memref<1x1024x128xf32, #tpu.memory_space<vmem>>
      %dma_start3A_209 = tpu.memref_squeeze %dma_start3A_208 : memref<1x1024x128xf32, #tpu.memory_space<vmem>> -> memref<1024x128xf32, #tpu.memory_space<vmem>>
      %dma_start3A_210 = arith.constant 4096 : i32
      %dma_start3A_211 = arith.constant 0 : i32
      %dma_start3A_212 = tpu.memref_slice %arg1[%dma_start3A_210, %dma_start3A_211] : memref<8192x128xf32, #tpu.memory_space<any>> -> memref<1024x128xf32, #tpu.memory_space<any>>
      tpu.enqueue_dma source(%dma_start3A_212 : memref<1024x128xf32, #tpu.memory_space<any>>) target(%dma_start3A_209 : memref<1024x128xf32, #tpu.memory_space<vmem>>) target_semaphore(%dma_start3A_205 : memref<!tpu.dma_semaphore, #tpu.memory_space<semaphore_mem>>)
      %dma_start3A_213 = arith.constant 2 : i32
      %dma_start3A_214 = arith.constant 2 : i32
      %dma_start3A_215 = arith.constant 1 : i32
      %dma_start3A_216 = tpu.memref_slice %arg12[%dma_start3A_214, %dma_start3A_215] : memref<4x2x!tpu.dma_semaphore, #tpu.memory_space<semaphore_mem>> -> memref<1x1x!tpu.dma_semaphore, #tpu.memory_space<semaphore_mem>>
      %dma_start3A_217 = tpu.memref_squeeze %dma_start3A_216 : memref<1x1x!tpu.dma_semaphore, #tpu.memory_space<semaphore_mem>> -> memref<!tpu.dma_semaphore, #tpu.memory_space<semaphore_mem>>
      %dma_start3A_218 = arith.constant 1024 : i32
      %dma_start3A_219 = arith.constant 0 : i32
      %dma_start3A_220 = tpu.memref_slice %arg10[%dma_start3A_213, %dma_start3A_218, %dma_start3A_219] : memref<4x2048x128xf32, #tpu.memory_space<vmem>> -> memref<1x1024x128xf32, #tpu.memory_space<vmem>>
      %dma_start3A_221 = tpu.memref_squeeze %dma_start3A_220 : memref<1x1024x128xf32, #tpu.memory_space<vmem>> -> memref<1024x128xf32, #tpu.memory_space<vmem>>
      %dma_start3A_222 = arith.constant 5120 : i32
      %dma_start3A_223 = arith.constant 0 : i32
      %dma_start3A_224 = tpu.memref_slice %arg1[%dma_start3A_222, %dma_start3A_223] : memref<8192x128xf32, #tpu.memory_space<any>> -> memref<1024x128xf32, #tpu.memory_space<any>>
      tpu.enqueue_dma source(%dma_start3A_224 : memref<1024x128xf32, #tpu.memory_space<any>>) target(%dma_start3A_221 : memref<1024x128xf32, #tpu.memory_space<vmem>>) target_semaphore(%dma_start3A_217 : memref<!tpu.dma_semaphore, #tpu.memory_space<semaphore_mem>>)
      %dma_start3A_225 = arith.constant 2 : i32
      %dma_start3A_226 = arith.constant 2 : i32
      %dma_start3A_227 = arith.constant 0 : i32
      %dma_start3A_228 = tpu.memref_slice %arg13[%dma_start3A_226, %dma_start3A_227] : memref<4x2x!tpu.dma_semaphore, #tpu.memory_space<semaphore_mem>> -> memref<1x1x!tpu.dma_semaphore, #tpu.memory_space<semaphore_mem>>
      %dma_start3A_229 = tpu.memref_squeeze %dma_start3A_228 : memref<1x1x!tpu.dma_semaphore, #tpu.memory_space<semaphore_mem>> -> memref<!tpu.dma_semaphore, #tpu.memory_space<semaphore_mem>>
      %dma_start3A_230 = arith.constant 0 : i32
      %dma_start3A_231 = arith.constant 0 : i32
      %dma_start3A_232 = tpu.memref_slice %arg11[%dma_start3A_225, %dma_start3A_230, %dma_start3A_231] : memref<4x2048x128xf32, #tpu.memory_space<vmem>> -> memref<1x1024x128xf32, #tpu.memory_space<vmem>>
      %dma_start3A_233 = tpu.memref_squeeze %dma_start3A_232 : memref<1x1024x128xf32, #tpu.memory_space<vmem>> -> memref<1024x128xf32, #tpu.memory_space<vmem>>
      %dma_start3A_234 = arith.constant 4096 : i32
      %dma_start3A_235 = arith.constant 0 : i32
      %dma_start3A_236 = tpu.memref_slice %arg2[%dma_start3A_234, %dma_start3A_235] : memref<8192x128xf32, #tpu.memory_space<any>> -> memref<1024x128xf32, #tpu.memory_space<any>>
      tpu.enqueue_dma source(%dma_start3A_236 : memref<1024x128xf32, #tpu.memory_space<any>>) target(%dma_start3A_233 : memref<1024x128xf32, #tpu.memory_space<vmem>>) target_semaphore(%dma_start3A_229 : memref<!tpu.dma_semaphore, #tpu.memory_space<semaphore_mem>>)
      %dma_start3A_237 = arith.constant 2 : i32
      %dma_start3A_238 = arith.constant 2 : i32
      %dma_start3A_239 = arith.constant 1 : i32
      %dma_start3A_240 = tpu.memref_slice %arg13[%dma_start3A_238, %dma_start3A_239] : memref<4x2x!tpu.dma_semaphore, #tpu.memory_space<semaphore_mem>> -> memref<1x1x!tpu.dma_semaphore, #tpu.memory_space<semaphore_mem>>
      %dma_start3A_241 = tpu.memref_squeeze %dma_start3A_240 : memref<1x1x!tpu.dma_semaphore, #tpu.memory_space<semaphore_mem>> -> memref<!tpu.dma_semaphore, #tpu.memory_space<semaphore_mem>>
      %dma_start3A_242 = arith.constant 1024 : i32
      %dma_start3A_243 = arith.constant 0 : i32
      %dma_start3A_244 = tpu.memref_slice %arg11[%dma_start3A_237, %dma_start3A_242, %dma_start3A_243] : memref<4x2048x128xf32, #tpu.memory_space<vmem>> -> memref<1x1024x128xf32, #tpu.memory_space<vmem>>
      %dma_start3A_245 = tpu.memref_squeeze %dma_start3A_244 : memref<1x1024x128xf32, #tpu.memory_space<vmem>> -> memref<1024x128xf32, #tpu.memory_space<vmem>>
      %dma_start3A_246 = arith.constant 5120 : i32
      %dma_start3A_247 = arith.constant 0 : i32
      %dma_start3A_248 = tpu.memref_slice %arg2[%dma_start3A_246, %dma_start3A_247] : memref<8192x128xf32, #tpu.memory_space<any>> -> memref<1024x128xf32, #tpu.memory_space<any>>
      tpu.enqueue_dma source(%dma_start3A_248 : memref<1024x128xf32, #tpu.memory_space<any>>) target(%dma_start3A_245 : memref<1024x128xf32, #tpu.memory_space<vmem>>) target_semaphore(%dma_start3A_241 : memref<!tpu.dma_semaphore, #tpu.memory_space<semaphore_mem>>)
    } else {
    }
    %add3A = arith.constant 3 : i32
    %add3A_2 = arith.addi %arg0, %add3A : i32
    %lt3A = arith.constant 4 : i32
    %lt3A_3 = arith.cmpi slt, %add3A_2, %lt3A : i32
    %convert_element_type3A_4 = arith.extui %lt3A_3 : i1 to i32
    %cond3A_5 = arith.constant 0 : i32
    %cond3A_6 = arith.cmpi ne, %convert_element_type3A_4, %cond3A_5 : i32
    scf.if %cond3A_6 {
      %rem3A_106 = arith.constant 4 : i32
      %rem3A_107 = arith.remsi %add3A_2, %rem3A_106 : i32
      %mul3A_108 = arith.constant 2048 : i32
      %mul3A_109 = arith.muli %add3A_2, %mul3A_108 : i32
      %mul3A_110 = arith.constant 2048 : i32
      %mul3A_111 = arith.muli %add3A_2, %mul3A_110 : i32
      %add3A_112 = arith.constant 1024 : i32
      %add3A_113 = arith.addi %mul3A_111, %add3A_112 : i32
      %mul3A_114 = arith.constant 2048 : i32
      %mul3A_115 = arith.muli %add3A_2, %mul3A_114 : i32
      %mul3A_116 = arith.constant 2048 : i32
      %mul3A_117 = arith.muli %add3A_2, %mul3A_116 : i32
      %add3A_118 = arith.constant 1024 : i32
      %add3A_119 = arith.addi %mul3A_117, %add3A_118 : i32
      %dma_start3A = arith.constant 0 : i32
      %dma_start3A_120 = tpu.memref_slice %arg12[%rem3A_107, %dma_start3A] : memref<4x2x!tpu.dma_semaphore, #tpu.memory_space<semaphore_mem>> -> memref<1x1x!tpu.dma_semaphore, #tpu.memory_space<semaphore_mem>>
      %dma_start3A_121 = tpu.memref_squeeze %dma_start3A_120 : memref<1x1x!tpu.dma_semaphore, #tpu.memory_space<semaphore_mem>> -> memref<!tpu.dma_semaphore, #tpu.memory_space<semaphore_mem>>
      %dma_start3A_122 = arith.constant 0 : i32
      %dma_start3A_123 = arith.constant 0 : i32
      %dma_start3A_124 = tpu.memref_slice %arg10[%rem3A_107, %dma_start3A_122, %dma_start3A_123] : memref<4x2048x128xf32, #tpu.memory_space<vmem>> -> memref<1x1024x128xf32, #tpu.memory_space<vmem>>
      %dma_start3A_125 = tpu.memref_squeeze %dma_start3A_124 : memref<1x1024x128xf32, #tpu.memory_space<vmem>> -> memref<1024x128xf32, #tpu.memory_space<vmem>>
      %dma_start3A_126 = arith.constant 0 : i32
      %dma_start3A_127 = tpu.memref_slice %arg1[%mul3A_109, %dma_start3A_126] : memref<8192x128xf32, #tpu.memory_space<any>> -> memref<1024x128xf32, #tpu.memory_space<any>>
      tpu.enqueue_dma source(%dma_start3A_127 : memref<1024x128xf32, #tpu.memory_space<any>>) target(%dma_start3A_125 : memref<1024x128xf32, #tpu.memory_space<vmem>>) target_semaphore(%dma_start3A_121 : memref<!tpu.dma_semaphore, #tpu.memory_space<semaphore_mem>>)
      %dma_start3A_128 = arith.constant 1 : i32
      %dma_start3A_129 = tpu.memref_slice %arg12[%rem3A_107, %dma_start3A_128] : memref<4x2x!tpu.dma_semaphore, #tpu.memory_space<semaphore_mem>> -> memref<1x1x!tpu.dma_semaphore, #tpu.memory_space<semaphore_mem>>
      %dma_start3A_130 = tpu.memref_squeeze %dma_start3A_129 : memref<1x1x!tpu.dma_semaphore, #tpu.memory_space<semaphore_mem>> -> memref<!tpu.dma_semaphore, #tpu.memory_space<semaphore_mem>>
      %dma_start3A_131 = arith.constant 1024 : i32
      %dma_start3A_132 = arith.constant 0 : i32
      %dma_start3A_133 = tpu.memref_slice %arg10[%rem3A_107, %dma_start3A_131, %dma_start3A_132] : memref<4x2048x128xf32, #tpu.memory_space<vmem>> -> memref<1x1024x128xf32, #tpu.memory_space<vmem>>
      %dma_start3A_134 = tpu.memref_squeeze %dma_start3A_133 : memref<1x1024x128xf32, #tpu.memory_space<vmem>> -> memref<1024x128xf32, #tpu.memory_space<vmem>>
      %dma_start3A_135 = arith.constant 0 : i32
      %dma_start3A_136 = tpu.memref_slice %arg1[%add3A_113, %dma_start3A_135] : memref<8192x128xf32, #tpu.memory_space<any>> -> memref<1024x128xf32, #tpu.memory_space<any>>
      tpu.enqueue_dma source(%dma_start3A_136 : memref<1024x128xf32, #tpu.memory_space<any>>) target(%dma_start3A_134 : memref<1024x128xf32, #tpu.memory_space<vmem>>) target_semaphore(%dma_start3A_130 : memref<!tpu.dma_semaphore, #tpu.memory_space<semaphore_mem>>)
      %dma_start3A_137 = arith.constant 0 : i32
      %dma_start3A_138 = tpu.memref_slice %arg13[%rem3A_107, %dma_start3A_137] : memref<4x2x!tpu.dma_semaphore, #tpu.memory_space<semaphore_mem>> -> memref<1x1x!tpu.dma_semaphore, #tpu.memory_space<semaphore_mem>>
      %dma_start3A_139 = tpu.memref_squeeze %dma_start3A_138 : memref<1x1x!tpu.dma_semaphore, #tpu.memory_space<semaphore_mem>> -> memref<!tpu.dma_semaphore, #tpu.memory_space<semaphore_mem>>
      %dma_start3A_140 = arith.constant 0 : i32
      %dma_start3A_141 = arith.constant 0 : i32
      %dma_start3A_142 = tpu.memref_slice %arg11[%rem3A_107, %dma_start3A_140, %dma_start3A_141] : memref<4x2048x128xf32, #tpu.memory_space<vmem>> -> memref<1x1024x128xf32, #tpu.memory_space<vmem>>
      %dma_start3A_143 = tpu.memref_squeeze %dma_start3A_142 : memref<1x1024x128xf32, #tpu.memory_space<vmem>> -> memref<1024x128xf32, #tpu.memory_space<vmem>>
      %dma_start3A_144 = arith.constant 0 : i32
      %dma_start3A_145 = tpu.memref_slice %arg2[%mul3A_115, %dma_start3A_144] : memref<8192x128xf32, #tpu.memory_space<any>> -> memref<1024x128xf32, #tpu.memory_space<any>>
      tpu.enqueue_dma source(%dma_start3A_145 : memref<1024x128xf32, #tpu.memory_space<any>>) target(%dma_start3A_143 : memref<1024x128xf32, #tpu.memory_space<vmem>>) target_semaphore(%dma_start3A_139 : memref<!tpu.dma_semaphore, #tpu.memory_space<semaphore_mem>>)
      %dma_start3A_146 = arith.constant 1 : i32
      %dma_start3A_147 = tpu.memref_slice %arg13[%rem3A_107, %dma_start3A_146] : memref<4x2x!tpu.dma_semaphore, #tpu.memory_space<semaphore_mem>> -> memref<1x1x!tpu.dma_semaphore, #tpu.memory_space<semaphore_mem>>
      %dma_start3A_148 = tpu.memref_squeeze %dma_start3A_147 : memref<1x1x!tpu.dma_semaphore, #tpu.memory_space<semaphore_mem>> -> memref<!tpu.dma_semaphore, #tpu.memory_space<semaphore_mem>>
      %dma_start3A_149 = arith.constant 1024 : i32
      %dma_start3A_150 = arith.constant 0 : i32
      %dma_start3A_151 = tpu.memref_slice %arg11[%rem3A_107, %dma_start3A_149, %dma_start3A_150] : memref<4x2048x128xf32, #tpu.memory_space<vmem>> -> memref<1x1024x128xf32, #tpu.memory_space<vmem>>
      %dma_start3A_152 = tpu.memref_squeeze %dma_start3A_151 : memref<1x1024x128xf32, #tpu.memory_space<vmem>> -> memref<1024x128xf32, #tpu.memory_space<vmem>>
      %dma_start3A_153 = arith.constant 0 : i32
      %dma_start3A_154 = tpu.memref_slice %arg2[%add3A_119, %dma_start3A_153] : memref<8192x128xf32, #tpu.memory_space<any>> -> memref<1024x128xf32, #tpu.memory_space<any>>
      tpu.enqueue_dma source(%dma_start3A_154 : memref<1024x128xf32, #tpu.memory_space<any>>) target(%dma_start3A_152 : memref<1024x128xf32, #tpu.memory_space<vmem>>) target_semaphore(%dma_start3A_148 : memref<!tpu.dma_semaphore, #tpu.memory_space<semaphore_mem>>)
    } else {
    }
    %rem3A = arith.constant 4 : i32
    %rem3A_7 = arith.remsi %arg0, %rem3A : i32
    %mul3A = arith.constant 2048 : i32
    %mul3A_8 = arith.muli %arg0, %mul3A : i32
    %mul3A_9 = arith.constant 2048 : i32
    %mul3A_10 = arith.muli %arg0, %mul3A_9 : i32
    %add3A_11 = arith.constant 1024 : i32
    %add3A_12 = arith.addi %mul3A_10, %add3A_11 : i32
    %mul3A_13 = arith.constant 2048 : i32
    %mul3A_14 = arith.muli %arg0, %mul3A_13 : i32
    %mul3A_15 = arith.constant 2048 : i32
    %mul3A_16 = arith.muli %arg0, %mul3A_15 : i32
    %add3A_17 = arith.constant 1024 : i32
    %add3A_18 = arith.addi %mul3A_16, %add3A_17 : i32
    %dma_wait3A = arith.constant 0 : i32
    %dma_wait3A_19 = tpu.memref_slice %arg12[%rem3A_7, %dma_wait3A] : memref<4x2x!tpu.dma_semaphore, #tpu.memory_space<semaphore_mem>> -> memref<1x1x!tpu.dma_semaphore, #tpu.memory_space<semaphore_mem>>
    %dma_wait3A_20 = tpu.memref_squeeze %dma_wait3A_19 : memref<1x1x!tpu.dma_semaphore, #tpu.memory_space<semaphore_mem>> -> memref<!tpu.dma_semaphore, #tpu.memory_space<semaphore_mem>>
    %dma_wait3A_21 = arith.constant 0 : i32
    %dma_wait3A_22 = arith.constant 0 : i32
    %dma_wait3A_23 = tpu.memref_slice %arg10[%rem3A_7, %dma_wait3A_21, %dma_wait3A_22] : memref<4x2048x128xf32, #tpu.memory_space<vmem>> -> memref<1x1024x128xf32, #tpu.memory_space<vmem>>
    %dma_wait3A_24 = tpu.memref_squeeze %dma_wait3A_23 : memref<1x1024x128xf32, #tpu.memory_space<vmem>> -> memref<1024x128xf32, #tpu.memory_space<vmem>>
    %dma_wait3A_25 = arith.constant 0 : i32
    %dma_wait3A_26 = tpu.memref_slice %arg1[%mul3A_8, %dma_wait3A_25] : memref<8192x128xf32, #tpu.memory_space<any>> -> memref<1024x128xf32, #tpu.memory_space<any>>
    tpu.wait_dma2 semaphore(%dma_wait3A_20 : memref<!tpu.dma_semaphore, #tpu.memory_space<semaphore_mem>>) src(%dma_wait3A_26 : memref<1024x128xf32, #tpu.memory_space<any>>) dst(%dma_wait3A_24 : memref<1024x128xf32, #tpu.memory_space<vmem>>)
    %dma_wait3A_27 = arith.constant 1 : i32
    %dma_wait3A_28 = tpu.memref_slice %arg12[%rem3A_7, %dma_wait3A_27] : memref<4x2x!tpu.dma_semaphore, #tpu.memory_space<semaphore_mem>> -> memref<1x1x!tpu.dma_semaphore, #tpu.memory_space<semaphore_mem>>
    %dma_wait3A_29 = tpu.memref_squeeze %dma_wait3A_28 : memref<1x1x!tpu.dma_semaphore, #tpu.memory_space<semaphore_mem>> -> memref<!tpu.dma_semaphore, #tpu.memory_space<semaphore_mem>>
    %dma_wait3A_30 = arith.constant 1024 : i32
    %dma_wait3A_31 = arith.constant 0 : i32
    %dma_wait3A_32 = tpu.memref_slice %arg10[%rem3A_7, %dma_wait3A_30, %dma_wait3A_31] : memref<4x2048x128xf32, #tpu.memory_space<vmem>> -> memref<1x1024x128xf32, #tpu.memory_space<vmem>>
    %dma_wait3A_33 = tpu.memref_squeeze %dma_wait3A_32 : memref<1x1024x128xf32, #tpu.memory_space<vmem>> -> memref<1024x128xf32, #tpu.memory_space<vmem>>
    %dma_wait3A_34 = arith.constant 0 : i32
    %dma_wait3A_35 = tpu.memref_slice %arg1[%add3A_12, %dma_wait3A_34] : memref<8192x128xf32, #tpu.memory_space<any>> -> memref<1024x128xf32, #tpu.memory_space<any>>
    tpu.wait_dma2 semaphore(%dma_wait3A_29 : memref<!tpu.dma_semaphore, #tpu.memory_space<semaphore_mem>>) src(%dma_wait3A_35 : memref<1024x128xf32, #tpu.memory_space<any>>) dst(%dma_wait3A_33 : memref<1024x128xf32, #tpu.memory_space<vmem>>)
    %dma_wait3A_36 = arith.constant 0 : i32
    %dma_wait3A_37 = tpu.memref_slice %arg13[%rem3A_7, %dma_wait3A_36] : memref<4x2x!tpu.dma_semaphore, #tpu.memory_space<semaphore_mem>> -> memref<1x1x!tpu.dma_semaphore, #tpu.memory_space<semaphore_mem>>
    %dma_wait3A_38 = tpu.memref_squeeze %dma_wait3A_37 : memref<1x1x!tpu.dma_semaphore, #tpu.memory_space<semaphore_mem>> -> memref<!tpu.dma_semaphore, #tpu.memory_space<semaphore_mem>>
    %dma_wait3A_39 = arith.constant 0 : i32
    %dma_wait3A_40 = arith.constant 0 : i32
    %dma_wait3A_41 = tpu.memref_slice %arg11[%rem3A_7, %dma_wait3A_39, %dma_wait3A_40] : memref<4x2048x128xf32, #tpu.memory_space<vmem>> -> memref<1x1024x128xf32, #tpu.memory_space<vmem>>
    %dma_wait3A_42 = tpu.memref_squeeze %dma_wait3A_41 : memref<1x1024x128xf32, #tpu.memory_space<vmem>> -> memref<1024x128xf32, #tpu.memory_space<vmem>>
    %dma_wait3A_43 = arith.constant 0 : i32
    %dma_wait3A_44 = tpu.memref_slice %arg2[%mul3A_14, %dma_wait3A_43] : memref<8192x128xf32, #tpu.memory_space<any>> -> memref<1024x128xf32, #tpu.memory_space<any>>
    tpu.wait_dma2 semaphore(%dma_wait3A_38 : memref<!tpu.dma_semaphore, #tpu.memory_space<semaphore_mem>>) src(%dma_wait3A_44 : memref<1024x128xf32, #tpu.memory_space<any>>) dst(%dma_wait3A_42 : memref<1024x128xf32, #tpu.memory_space<vmem>>)
    %dma_wait3A_45 = arith.constant 1 : i32
    %dma_wait3A_46 = tpu.memref_slice %arg13[%rem3A_7, %dma_wait3A_45] : memref<4x2x!tpu.dma_semaphore, #tpu.memory_space<semaphore_mem>> -> memref<1x1x!tpu.dma_semaphore, #tpu.memory_space<semaphore_mem>>
    %dma_wait3A_47 = tpu.memref_squeeze %dma_wait3A_46 : memref<1x1x!tpu.dma_semaphore, #tpu.memory_space<semaphore_mem>> -> memref<!tpu.dma_semaphore, #tpu.memory_space<semaphore_mem>>
    %dma_wait3A_48 = arith.constant 1024 : i32
    %dma_wait3A_49 = arith.constant 0 : i32
    %dma_wait3A_50 = tpu.memref_slice %arg11[%rem3A_7, %dma_wait3A_48, %dma_wait3A_49] : memref<4x2048x128xf32, #tpu.memory_space<vmem>> -> memref<1x1024x128xf32, #tpu.memory_space<vmem>>
    %dma_wait3A_51 = tpu.memref_squeeze %dma_wait3A_50 : memref<1x1024x128xf32, #tpu.memory_space<vmem>> -> memref<1024x128xf32, #tpu.memory_space<vmem>>
    %dma_wait3A_52 = arith.constant 0 : i32
    %dma_wait3A_53 = tpu.memref_slice %arg2[%add3A_18, %dma_wait3A_52] : memref<8192x128xf32, #tpu.memory_space<any>> -> memref<1024x128xf32, #tpu.memory_space<any>>
    tpu.wait_dma2 semaphore(%dma_wait3A_47 : memref<!tpu.dma_semaphore, #tpu.memory_space<semaphore_mem>>) src(%dma_wait3A_53 : memref<1024x128xf32, #tpu.memory_space<any>>) dst(%dma_wait3A_51 : memref<1024x128xf32, #tpu.memory_space<vmem>>)
    %get3A = arith.index_cast %rem3A_7 : i32 to index
    %get3A_54 = arith.constant 0 : index
    %get3A_55 = arith.constant 0 : index
    %get3A_56 = vector.load %arg10[%get3A, %get3A_54, %get3A_55] : memref<4x2048x128xf32, #tpu.memory_space<vmem>>, vector<1x2048x128xf32>
    %get3A_57 = vector.shape_cast %get3A_56 : vector<1x2048x128xf32> to vector<2048x128xf32>
    %get3A_58 = arith.constant 0 : index
    %get3A_59 = arith.constant 0 : index
    %get3A_60 = vector.load %arg3[%get3A_58, %get3A_59] : memref<256x64xf32, #tpu.memory_space<vmem>>, vector<128x64xf32>
    %dot_general3A = arith.constant dense<0.000000e+00> : vector<2048x64xf32>
    %dot_general3A_61 = tpu.matmul %get3A_57, %get3A_60, %dot_general3A {dimension_numbers = #tpu.dot_dimension_numbers<[1], [0], [0], [1], [0, 0, 1, 1], [], []>, transpose_lhs_hint = false} : vector<2048x128xf32>, vector<128x64xf32>, vector<2048x64xf32> -> vector<2048x64xf32>
    %get3A_62 = arith.index_cast %rem3A_7 : i32 to index
    %get3A_63 = arith.constant 0 : index
    %get3A_64 = arith.constant 0 : index
    %get3A_65 = vector.load %arg11[%get3A_62, %get3A_63, %get3A_64] : memref<4x2048x128xf32, #tpu.memory_space<vmem>>, vector<1x2048x128xf32>
    %get3A_66 = vector.shape_cast %get3A_65 : vector<1x2048x128xf32> to vector<2048x128xf32>
    %get3A_67 = arith.constant 128 : index
    %get3A_68 = arith.constant 0 : index
    %get3A_69 = vector.load %arg3[%get3A_67, %get3A_68] : memref<256x64xf32, #tpu.memory_space<vmem>>, vector<128x64xf32>
    %dot_general3A_70 = arith.constant dense<0.000000e+00> : vector<2048x64xf32>
    %dot_general3A_71 = tpu.matmul %get3A_66, %get3A_69, %dot_general3A_70 {dimension_numbers = #tpu.dot_dimension_numbers<[1], [0], [0], [1], [0, 0, 1, 1], [], []>, transpose_lhs_hint = false} : vector<2048x128xf32>, vector<128x64xf32>, vector<2048x64xf32> -> vector<2048x64xf32>
    %add3A_72 = arith.addf %dot_general3A_61, %dot_general3A_71 : vector<2048x64xf32>
    %get3A_73 = arith.constant 0 : index
    %get3A_74 = vector.load %arg4[%get3A_73] : memref<64xf32, #tpu.memory_space<vmem>>, vector<64xf32>
    %broadcast_in_dim3A = vector.shape_cast %get3A_74 : vector<64xf32> to vector<1x64xf32>
    %add3A_75 = vector.broadcast %broadcast_in_dim3A : vector<1x64xf32> to vector<2048x64xf32>
    %add3A_76 = arith.addf %add3A_72, %add3A_75 : vector<2048x64xf32>
    %max3A = arith.constant 0.000000e+00 : f32
    %max3A_77 = vector.broadcast %max3A : f32 to vector<2048x64xf32>
    %max3A_78 = arith.maximumf %add3A_76, %max3A_77 : vector<2048x64xf32>
    %get3A_79 = arith.constant 0 : index
    %get3A_80 = arith.constant 0 : index
    %get3A_81 = vector.load %arg5[%get3A_79, %get3A_80] : memref<64x16xf32, #tpu.memory_space<vmem>>, vector<64x16xf32>
    %dot_general3A_82 = arith.constant dense<0.000000e+00> : vector<16x2048xf32>
    %dot_general3A_83 = tpu.matmul %get3A_81, %max3A_78, %dot_general3A_82 {dimension_numbers = #tpu.dot_dimension_numbers<[0], [1], [1], [0], [0, 1, 1, 0], [], []>, transpose_lhs_hint = false} : vector<64x16xf32>, vector<2048x64xf32>, vector<16x2048xf32> -> vector<16x2048xf32>
    %get3A_84 = arith.constant 0 : index
    %get3A_85 = arith.constant 0 : index
    %get3A_86 = vector.load %arg6[%get3A_84, %get3A_85] : memref<16x1xf32, #tpu.memory_space<vmem>>, vector<16x1xf32>
    %add3A_87 = vector.broadcast %get3A_86 : vector<16x1xf32> to vector<16x2048xf32>
    %add3A_88 = arith.addf %dot_general3A_83, %add3A_87 : vector<16x2048xf32>
    %max3A_89 = arith.constant 0.000000e+00 : f32
    %max3A_90 = vector.broadcast %max3A_89 : f32 to vector<16x2048xf32>
    %max3A_91 = arith.maximumf %add3A_88, %max3A_90 : vector<16x2048xf32>
    %get3A_92 = arith.constant 0 : index
    %get3A_93 = arith.constant 0 : index
    %get3A_94 = vector.load %arg7[%get3A_92, %get3A_93] : memref<16x1xf32, #tpu.memory_space<vmem>>, vector<16x1xf32>
    %dot_general3A_95 = arith.constant dense<0.000000e+00> : vector<1x2048xf32>
    %dot_general3A_96 = tpu.matmul %get3A_94, %max3A_91, %dot_general3A_95 {dimension_numbers = #tpu.dot_dimension_numbers<[0], [0], [1], [1], [0, 1, 1, 1], [], []>, transpose_lhs_hint = false} : vector<16x1xf32>, vector<16x2048xf32>, vector<1x2048xf32> -> vector<1x2048xf32>
    %get3A_97 = arith.constant 0 : index
    %get3A_98 = arith.constant 0 : index
    %get3A_99 = vector.load %arg8[%get3A_97, %get3A_98] : memref<1x1xf32, #tpu.memory_space<vmem>>, vector<1x1xf32>
    %add3A_100 = vector.broadcast %get3A_99 : vector<1x1xf32> to vector<1x2048xf32>
    %add3A_101 = arith.addf %dot_general3A_96, %add3A_100 : vector<1x2048xf32>
    %max3A_102 = arith.constant 0.000000e+00 : f32
    %max3A_103 = vector.broadcast %max3A_102 : f32 to vector<1x2048xf32>
    %max3A_104 = arith.maximumf %add3A_101, %max3A_103 : vector<1x2048xf32>
    %squeeze3A = vector.shape_cast %max3A_104 : vector<1x2048xf32> to vector<2048xf32>
    %swap3A = arith.constant 0 : index
    %swap3A_105 = vector.load %arg9[%swap3A] : memref<2048xf32, #tpu.memory_space<vmem>>, vector<2048xf32>
    tpu.vector_store %arg9[%swap3A], %squeeze3A {strides = array<i32>} : memref<2048xf32, #tpu.memory_space<vmem>>, vector<2048xf32>,
    return
  }
  func.func @transform_2(%arg0: i32) -> (i32, i32) {
    %c0_i32 = arith.constant 0 : i32
    %c0_i32_0 = arith.constant 0 : i32
    %c0_i32_1 = arith.constant 0 : i32
    return %c0_i32, %c0_i32_0 : i32, i32
  }
  func.func @transform_3(%arg0: i32) -> i32 {
    %c0_i32 = arith.constant 0 : i32
    %c0_i32_0 = arith.constant 0 : i32
    return %c0_i32 : i32
  }
  func.func @transform_4(%arg0: i32) -> (i32, i32) {
    %c0_i32 = arith.constant 0 : i32
    %c0_i32_0 = arith.constant 0 : i32
    %c0_i32_1 = arith.constant 0 : i32
    return %c0_i32, %c0_i32_0 : i32, i32
  }
  func.func @transform_5(%arg0: i32) -> (i32, i32) {
    %c0_i32 = arith.constant 0 : i32
    %c0_i32_0 = arith.constant 0 : i32
    %c0_i32_1 = arith.constant 0 : i32
    return %c0_i32, %c0_i32_0 : i32, i32
  }
  func.func @transform_6(%arg0: i32) -> (i32, i32) {
    %c0_i32 = arith.constant 0 : i32
    %c0_i32_0 = arith.constant 0 : i32
    %c0_i32_1 = arith.constant 0 : i32
    return %c0_i32, %c0_i32_0 : i32, i32
  }
  func.func @transform_7(%arg0: i32) -> (i32, i32) {
    %c0_i32 = arith.constant 0 : i32
    %c0_i32_0 = arith.constant 0 : i32
    %c0_i32_1 = arith.constant 0 : i32
    return %c0_i32, %c0_i32_0 : i32, i32
  }
  func.func @transform_8(%arg0: i32) -> i32 {
    %add3A = arith.constant 0 : i32
    %add3A_0 = arith.addi %arg0, %add3A : i32
    %c0_i32 = arith.constant 0 : i32
    return %add3A_0 : i32
  }
}

</mosaic_0001>

<sc_bundles>
// kernel: kernel.6.cloned.1.call-start
scs
__scs_entry_jumppad:
0x0: {  	(pc) =	sbr.rel $0x88, $3  }
0x1: {  	(tag) =	ssettag $0x0;
	lr =	simm.s32 $0x1  }
0x2: {  	[smem:$0x3F97] =	sst lr;
	_ =	strace $0xD0000000  }
0x3: {  	_ = 	snop  }
0x4: {  	_ = 	snop  }
0x5: {  	_ = 	snop  }
0x6: {  	_ = 	snop  }
0x7: {  	_ = 	snop  }
__scs_overlays_trampoline_lowered:
0x8: {  	[smem:$0x3FA6] =	sst s0  }
0x9: {  	[smem:$0x3FA7] =	sst s1  }
0xa: {  	[smem:$0x3FA8] =	sst s2  }
0xb: {  	[smem:$0x3FA9] =	sst s3  }
0xc: {  	[smem:$0x3FAA] =	sst s4  }
0xd: {  	[smem:$0x3FAB] =	sst s5  }
0xe: {  	[smem:$0x3FAC] =	sst s6  }
0xf: {  	[smem:$0x3FAD] =	sst s7  }
0x10: {  	[smem:$0x3FAE] =	sst s8  }
0x11: {  	[smem:$0x3FAF] =	sst s9;
	s0 =	simm.s32 @!p0 $0x0  }
0x12: {  	s1 =	sld [smem:$0x3F95];
	s0 =	simm.s32 @p0 $0x1  }
0x13: {  	[smem:$0x3FB0] =	sst s0;
	s0 =	simm.s32 @!p1 $0x0  }
0x14: {  	s2 =	sld [smem:$0x3F94];
	s0 =	simm.s32 @p1 $0x1  }
0x15: {  	[smem:$0x3FB1] =	sst s0;
	s0 =	simm.s32 @!p2 $0x0  }
0x16: {  	s3 =	sld [smem:$0x3FDB];
	s0 =	simm.s32 @p2 $0x1  }
0x17: {  	s4 =	simm.s32 $0x1BF5;
	[smem:$0x3FB3] =	sst s0  }
0x18: {  	s0 =	sld [smem:$0x3F96];
	_ =	swait.ge [sflag:s4], $0x0  }
0x19: {  	s7 =	sld [smem:$0x3F97]  }
0x1a: {  	s8 =	sadd.s32 $0xFFFFE003, lr  }
0x1b: {  	s9 =	sadd.s32 $0xFFFFFEF7, lr;
	s5 =	simm.s32 $0xFFFFFFFF;
	p2 =	slt.u32 s8, $0xFFFFF086  }
0x1c: {  	p1 =	slt.u32 s9, $0xF7A;
	s5 =	simm.s32 @!p2 $0x0  }
0x1d: {  	s5 =	simm.s32 @p1 $0x1;
	p0 =	seq.s32 s7, s2  }
0x1e: {  	s7 =	smul.u32 @!p0 $0xF7A, s2;
	p2 =	seq.s32 @!p0 s5, $0x0  }
0x1f: {  	s9 =	smul.u32 $0xF7A, s1;
	s8 =	simm.s32 @!p0 $0x1BF5;
	p2 =	por !p2, p0  }
0x20: {  	[sflag:s8] =	ssyncset.s32 @!p0 $0xFFFFF086;
	s6 =	sadd.s32 @!p0 s3, s7;
	s7 =	simm.s32 @!p0 $0x108  }
0x21: {  	s3 =	sadd.s32 s3, s9;
	s6 =	sadd.s32 @!p0 $0x88, s6;
	s7 =	simm.s32 @p2 $0x1082  }
0x22: {  	[simem:s7], [sflag:s8] =	dma.local @!p0 [hbm:s6], $0xF7A  }
0x23: {  	s9 =	sor.u32 $0xD0000000, s2;
	s6 =	simm.s32 $0x108;
	_ =	swait.ge @!p0 [sflag:s8], $0x0  }
0x24: {  	s3 =	sadd.s32 $0x88, s3;
	s6 =	simm.s32 @!p1 $0x1082;
	[sflag:s4] =	ssyncset.s32 $0xFFFFF086  }
0x25: {  	[simem:s6], [sflag:s4] =	dma.local [hbm:s3], $0xF7A  }
0x26: {  	[smem:$0x3F97] =	sst s1;
	(tag) =	ssettag s2;
	_ =	strace s9  }
0x27: {  	s1 =	sld [smem:$0x3FA7]  }
0x28: {  	s2 =	sld [smem:$0x3FA8]  }
0x29: {  	s4 =	sld [smem:$0x3FAA]  }
0x2a: {  	p0 =	seq.s32 s5, $0x0;
	s5 =	sld [smem:$0x3FAB]  }
0x2b: {  	s6 =	sld [smem:$0x3FAC]  }
0x2c: {  	s7 =	sld [smem:$0x3FAD]  }
0x2d: {  	s3 =	simm.s32 $0x108;
	s8 =	sld [smem:$0x3FAE]  }
0x2e: {  	s3 =	simm.s32 @!p0 $0x1082;
	s9 =	sld [smem:$0x3FAF]  }
0x2f: {  	lr =	sadd.s32 s0, s3;
	s0 =	sld [smem:$0x3FA6]  }
0x30: {  	s3 =	sld [smem:$0x3FA9]  }
0x31: {  	[smem:$0x3FB2] =	sst s10  }
0x32: {  	s10 =	sld [smem:$0x3FB0];
	_ =	sdelay $0x3  }
0x33: {  	p0 =	seq.s32 s10, $0x1;
	s10 =	sld [smem:$0x3FB2];
	_ =	sdelay $0x3  }
0x34: {  	[smem:$0x3FB2] =	sst s10  }
0x35: {  	s10 =	sld [smem:$0x3FB1];
	_ =	sdelay $0x3  }
0x36: {  	p1 =	seq.s32 s10, $0x1;
	s10 =	sld [smem:$0x3FB2];
	_ =	sdelay $0x3  }
0x37: {  	[smem:$0x3FB2] =	sst s10  }
0x38: {  	s10 =	sld [smem:$0x3FB3]  }
0x39: {  	_ = 	snop;
	(pc) =	sbr.ind lr, $3  }
0x3a: {  	_ = 	snop  }
0x3b: {  	_ = 	snop  }
0x3c: {  	p2 =	seq.s32 s10, $0x1;
	s10 =	sld [smem:$0x3FB2]  }
0x3d: {  	_ =	shalt  }
0x3e: {  	_ =	shalt  }
0x3f: {  	_ =	shalt  }
0x40: {  	_ =	shalt  }
0x41: {  	_ =	shalt  }
0x42: {  	_ =	shalt  }
0x43: {  	_ =	shalt  }
0x44: {  	_ =	shalt  }
0x45: {  	_ =	shalt  }
0x46: {  	_ =	shalt  }
0x47: {  	_ =	shalt  }
0x48: {  	_ =	shalt  }
0x49: {  	_ =	shalt  }
0x4a: {  	_ =	shalt  }
0x4b: {  	_ =	shalt  }
0x4c: {  	_ =	shalt  }
0x4d: {  	_ =	shalt  }
0x4e: {  	_ =	shalt  }
0x4f: {  	_ =	shalt  }
0x50: {  	_ =	shalt  }
0x51: {  	_ =	shalt  }
0x52: {  	_ =	shalt  }
0x53: {  	_ =	shalt  }
0x54: {  	_ =	shalt  }
0x55: {  	_ =	shalt  }
0x56: {  	_ =	shalt  }
0x57: {  	_ =	shalt  }
0x58: {  	_ =	shalt  }
0x59: {  	_ =	shalt  }
0x5a: {  	_ =	shalt  }
0x5b: {  	_ =	shalt  }
0x5c: {  	_ =	shalt  }
0x5d: {  	_ =	shalt  }
0x5e: {  	_ =	shalt  }
0x5f: {  	_ =	shalt  }
0x60: {  	_ =	shalt  }
0x61: {  	_ =	shalt  }
0x62: {  	_ =	shalt  }
0x63: {  	_ =	shalt  }
0x64: {  	_ =	shalt  }
0x65: {  	_ =	shalt  }
0x66: {  	_ =	shalt  }
0x67: {  	_ =	shalt  }
0x68: {  	_ =	shalt  }
0x69: {  	_ =	shalt  }
0x6a: {  	_ =	shalt  }
0x6b: {  	_ =	shalt  }
0x6c: {  	_ =	shalt  }
0x6d: {  	_ =	shalt  }
0x6e: {  	_ =	shalt  }
0x6f: {  	_ =	shalt  }
0x70: {  	_ =	shalt  }
0x71: {  	_ =	shalt  }
0x72: {  	_ =	shalt  }
0x73: {  	_ =	shalt  }
0x74: {  	_ =	shalt  }
0x75: {  	_ =	shalt  }
0x76: {  	_ =	shalt  }
0x77: {  	_ =	shalt  }
0x78: {  	_ =	shalt  }
0x79: {  	_ =	shalt  }
0x7a: {  	_ =	shalt  }
0x7b: {  	_ =	shalt  }
0x7c: {  	_ =	shalt  }
0x7d: {  	_ =	shalt  }
0x7e: {  	_ =	shalt  }
0x7f: {  	_ =	shalt  }
0x80: {  	_ =	shalt  }
0x81: {  	_ =	shalt  }
0x82: {  	_ =	shalt  }
0x83: {  	_ =	shalt  }
0x84: {  	_ =	shalt  }
0x85: {  	_ =	shalt  }
0x86: {  	_ =	shalt  }
0x87: {  	_ =	shalt  }
.Lfunc_end0:
.L_simem_size_0:
called_computation_lowered:
.L_overlay_start_0:
0x88: {  	s2 =	sld [smem:$0x3FD9]  }
0x89: {  	s3 =	sld [smem:$0x3FFE];
	_ =	sdelay $0x1  }
0x8a: {  	s1 =	srdreg.scid  }
0x8b: {  	s0 =	sand.u32 $0x1, s1  }
0x8c: {  	s17 =	sshll.u32 s0, $0xA;
	s2 =	sadd.s32 s3, s2  }
0x8d: {  	s2 =	sadd.s32 s2, s17  }
0x8e: {  	[smem:$0x3FBE] =	sst s2  }
0x8f: {  	_ = 	snop  }
0x90: {  	s2 =	sld [smem:$0x3FC7]  }
0x91: {  	s18 =	sld [smem:$0x3FC6]  }
0x92: {  	s4 =	sld [smem:$0x3FD0];
	(tm) =	ssettm $0x1  }
0x93: {  	s5 =	sld [smem:$0x3FFB];
	_ =	sdelay $0x3  }
0x94: {  	_ =	strace s5  }
0x95: {  	s5 =	sld [smem:$0x3FFC];
	_ =	sdelay $0x3  }
0x96: {  	_ =	strace s5  }
0x97: {  	s5 =	sld [smem:$0x3FFD];
	_ =	sdelay $0x3  }
0x98: {  	_ =	strace s5  }
0x99: {  	_ =	strace $0x8FFFFFFF  }
0x9a: {  	s19 =	sld [smem:$0x3FDB];
	_ =	sdelay $0x1  }
0x9b: {  	s6 =	simm.s32 $_scs_section_size  }
0x9c: {  	s7 =	simm.s32 $_size__tile_overlayer_lowered;
	s8 =	simm.s32 $_tile_overlayer_lowered  }
0x9d: {  	s22 =	simm.s32 $0x1BFF;
	s21 =	sshll.u32 s8, $0x1;
	s5 =	sadd.s32 s6, s19  }
0x9e: {  	s9 =	simm.s32 $0x0;
	s20 =	sshll.u32 s7, $0x1;
	s7 =	sadd.s32 s21, s5  }
0x9f: {  	[timem:s9], [sflag:s22] =	dma.local [hbm:s7], s20  }
0xa0: {  	_ =	swait.ge [sflag:s22], s20  }
0xa1: {  	s6 =	ssub.s32 $0x0, s20;
	[sflag:s22] =	ssyncset.done $0x0  }
0xa2: {  	[sflag:s22] =	ssyncadd.s32 s6;
	_ =	sdelay $0x1  }
0xa3: {  	s23 =	simm.s32 $0x1B8B  }
0xa4: {  	_ =	swait.ge [sflag:s23], $0x1  }
0xa5: {  	[sflag:s23] =	ssyncset.done $0x0  }
0xa6: {  	s25 =	simm.s32 $0x1B8E;
	s24 =	sld [smem:$0x3FFE];
	[sflag:s23] =	ssyncadd.s32 $0xFFFFFFFF  }
0xa7: {  	s26 =	simm.s32 $execute0_lowered;
	[smem:$0x3FD2] =	sst s25  }
0xa8: {  	s7 =	sshll.u32 s26, $0x1;
	_ =	strace $0x80000046;
	[dreg:$0x1] =	wrdreg $0xFFFFFFFF  }
0xa9: {  	s28 =	simm.s32 $_size_execute0_lowered;
	s5 =	sadd.s32 s5, s7;
	[dreg:$0x0] =	wrdreg $0x0  }
0xaa: {  	s7 =	sshll.u32 s28, $0x1;
	[dreg:$0x2] =	wrdreg s5  }
0xab: {  	[dreg:$0x3] =	wrdreg s7  }
0xac: {  	[dreg:$0x4] =	wrdreg $0xC0  }
0xad: {  	_ =	task [dreg:s9], $0x5FFFF  }
0xae: {  	[dreg:$0x1] =	wrdreg $0xFFFFFFFF  }
0xaf: {  	[dreg:$0x0] =	wrdreg $0x60  }
0xb0: {  	[dreg:$0x2] =	wrdreg s24  }
0xb1: {  	[dreg:$0x3] =	wrdreg s4  }
0xb2: {  	[dreg:$0x4] =	wrdreg s2  }
0xb3: {  	[dreg:$0x5] =	wrdreg s18  }
0xb4: {  	[dreg:$0x6] =	wrdreg $0x9  }
0xb5: {  	_ =	task.clear_ibuf [dreg:s9], $0x7FFFF;
	_ =	strace $0x90000046  }
0xb6: {  	s29 =	simm.s32 $0x9;
	_ =	strace $0x80000048  }
0xb7: {  	_ =	swait.ge [sflag:s29], $0x1  }
0xb8: {  	[sflag:s29] =	ssyncadd.s32 $0xFFFFFFFF  }
0xb9: {  	_ =	strace $0x90000048  }
0xba: {  	_ =	sfence  }
0xbb: {  	s30 =	sld [smem:$0x0];
	_ =	sdelay $0x2  }
0xbc: {  	s31 =	sshll.u32 s1, $0xD;
	s1 =	sshrl.u32 s1, $0x2  }
0xbd: {  	s3 =	sand.u32 $0x4000, s31;
	s1 =	sadd.s32 s1, s30  }
0xbe: {  	s0 =	sor.u32 s3, s0;
	s1 =	sshll.u32 s1, $0x11  }
0xbf: {  	s0 =	sor.u32 s1, s0  }
0xc0: {  	s0 =	sadd.s32 $0x8F2B, s0  }
0xc1: {  	[sflag:s0] =	ssyncadd.remote.s32 $0x1  }
0xc2: {  	_ =	sfence.sel $0xFFFF  }
0xc3: {  	[dreg:$0x0] =	wrdreg $0xFFFFFFFF;
	(pc) =	sbr.abs _section_cstart, $3  }
0xc4: {  	[dreg:$0x1] =	wrdreg $0xFFFFFFFF  }
0xc5: {  	_ =	task.clear_ibuf [dreg:s9], $0x2FFFF;
	_ =	strace $0x9FFFFFFF  }
0xc6: {  	(tm) =	ssettm $0x7FFFFFFF  }
0xc7: {  	_ =	shalt  }
tec
execute0_lowered:
.L_overlay_start_1:
0x0: {  	(tag) =	ssettag $0x1  }
0x1: {  	s1 =	srdreg.scid  }
0x2: {  	s22 =	rddreg [dreg:$0x0];
	s0 =	stileid.u32;
	s28 =	sand.u32 $0x1, s1  }
0x3: {  	s9 =	rddreg [dreg:$0x1];
	s31 =	sshll.u32 s0, $0x9;
	s4 =	sshll.u32 s28, $0x8  }
0x4: {  	s2 =	rddreg [dreg:$0x2];
	s18 =	sor.u32 s4, s31  }
0x5: {  	s3 =	rddreg [dreg:$0x3];
	s4 =	simm.s32 $0x0;
	s10 =	sshrl.u32 s18, $0x3  }
0x6: {  	[smem:$0x7FF] =	sst s4;
	s6 =	sadd.s32 s10, s22  }
0x7: {  	s1 =	rddreg [dreg:$0x4];
	_ =	strace $0x80000047;
	s5 =	sadd.s32 $0x1C00, s6  }
0x8: {  	[tilespmem:s4], [sflag:$0x9] =	stream.linear.gather [hbm4b:s5+s4], $0x80, $0x38;
	[tilespmem:$0x10200] =	vst v63  }
0x9: {  	s7 =	simm.s32 $0x100;
	s8 =	simm.s32 $0x9;
	s6 =	sadd.s32 $0x1C10, s6  }
0xa: {  	[tilespmem:s7], [sflag:$0x9] =	stream.linear.gather [hbm4b:s6+s4], $0x80, $0x38;
	[tilespmem:$0x10200] =	vst v63  }
0xb: {  	_ =	swait.ge [sflag:s8], $0x100  }
0xc: {  	[sflag:s8] =	ssyncset.done $0x0  }
0xd: {  	s9 =	sadd.s32 s9, s10;
	s10 =	simm.s32 $0x80;
	[sflag:s8] =	ssyncadd.s32 $0xFFFFFF00  }
0xe: {  	[tilespmem:s10], [sflag:$0x9] =	stream.linear.gather [hbm4b:s9+s4], $0x80, $0x38;
	[tilespmem:$0x10200] =	vst v63  }
0xf: {  	s12 =	simm.s32 $0x180;
	s11 =	sadd.s32 $0x10, s9  }
0x10: {  	[tilespmem:s12], [sflag:$0x9] =	stream.linear.gather [hbm4b:s11+s4], $0x80, $0x38;
	[tilespmem:$0x10200] =	vst v63  }
0x11: {  	_ =	swait.ge [sflag:s8], $0x100  }
0x12: {  	[sflag:s8] =	ssyncset.done $0x0  }
0x13: {  	s13 =	simm.s32 $0x200;
	[sflag:s8] =	ssyncadd.s32 $0xFFFFFF00  }
0x14: {  	[tilespmem:s13], [sflag:$0x1] =	stream.indirect.gather [hbm4b:s2+s10], $0x80, s4, s10, $0xb8;
	[tilespmem:$0x10200] =	vst v63  }
0x15: {  	s14 =	simm.s32 $0x4200  }
0x16: {  	[tilespmem:s14], [sflag:$0x2] =	stream.indirect.gather [hbm4b:s2+s10], $0x80, s7, s10, $0xb8;
	[tilespmem:$0x10200] =	vst v63  }
0x17: {  	s15 =	simm.s32 $0x8200  }
0x18: {  	[tilespmem:s15], [sflag:$0x3] =	stream.indirect.gather [hbm4b:s3+s10], $0x80, s10, s10, $0xb8;
	[tilespmem:$0x10200] =	vst v63  }
0x19: {  	s16 =	simm.s32 $0xC200;
	s17 =	simm.s32 $0x1  }
0x1a: {  	[tilespmem:s16], [sflag:$0x4] =	stream.indirect.gather [hbm4b:s3+s10], $0x80, s12, s10, $0xb8;
	[tilespmem:$0x10200] =	vst v63  }
0x1b: {  	_ =	swait.ge [sflag:s17], $0x4000  }
0x1c: {  	s20 =	sadd.s32 $0x2800, s22;
	s23 =	sshll.u32 s18, $0x4;
	[sflag:s17] =	ssyncset.done $0x0  }
0x1d: {  	s19 =	simm.s32 $0x2;
	s18 =	sadd.s32 s20, s23;
	[sflag:s17] =	ssyncadd.s32 $0xFFFFC000  }
0x1e: {  	[hbm4b:s18+s4] =	stream.linear.scatter [tilespmem:s13], [sflag:$0x5], $0x4000, $0x38;
	[tilespmem:$0x10200] =	vst v63  }
0x1f: {  	_ =	swait.ge [sflag:s19], $0x4000  }
0x20: {  	s24 =	sor.u32 $0x800, s23;
	[sflag:s19] =	ssyncset.done $0x0  }
0x21: {  	s21 =	simm.s32 $0x3;
	s20 =	sadd.s32 s20, s24;
	[sflag:s19] =	ssyncadd.s32 $0xFFFFC000  }
0x22: {  	[hbm4b:s20+s4] =	stream.linear.scatter [tilespmem:s14], [sflag:$0x6], $0x4000, $0x38;
	[tilespmem:$0x10200] =	vst v63  }
0x23: {  	_ =	swait.ge [sflag:s21], $0x4000  }
0x24: {  	s25 =	sadd.s32 $0x22800, s22;
	[sflag:s21] =	ssyncset.done $0x0  }
0x25: {  	s22 =	sadd.s32 s25, s23;
	s23 =	simm.s32 $0x4;
	[sflag:s21] =	ssyncadd.s32 $0xFFFFC000  }
0x26: {  	[hbm4b:s22+s4] =	stream.linear.scatter [tilespmem:s15], [sflag:$0x7], $0x4000, $0x38;
	[tilespmem:$0x10200] =	vst v63  }
0x27: {  	_ =	swait.ge [sflag:s23], $0x4000  }
0x28: {  	[sflag:s23] =	ssyncset.done $0x0  }
0x29: {  	s24 =	sadd.s32 s25, s24;
	s25 =	simm.s32 $0x5;
	[sflag:s23] =	ssyncadd.s32 $0xFFFFC000  }
0x2a: {  	[hbm4b:s24+s4] =	stream.linear.scatter [tilespmem:s16], [sflag:$0x8], $0x4000, $0x38;
	[tilespmem:$0x10200] =	vst v63  }
0x2b: {  	_ =	swait.ge [sflag:s25], $0x4000  }
0x2c: {  	s29 =	ssub.s32 $0x2, s28;
	[sflag:s25] =	ssyncset.done $0x0  }
0x2d: {  	s26 =	simm.s32 $0x6;
	s30 =	sshrl.u32 s29, $0x1;
	[sflag:s25] =	ssyncadd.s32 $0xFFFFC000  }
0x2e: {  	s29 =	ssub.s32 s29, s30;
	_ =	swait.ge [sflag:s26], $0x4000  }
0x2f: {  	s30 =	smax.u32 s29, $0x1;
	[sflag:s26] =	ssyncset.done $0x0  }
0x30: {  	s28 =	simm.s32 $0x7;
	p0 =	sne.s32 s30, $0x1;
	[sflag:s26] =	ssyncadd.s32 $0xFFFFC000  }
.Ltmp0:
0x31: {  	_ =	swait.ge [sflag:s28], $0x4000;
	(pc) =	sbr.rel @!p0 .LBB2_2-.Ltmp0, $4  }
0x32: {  	[sflag:s28] =	ssyncset.done $0x0  }
0x33: {  	s29 =	simm.s32 $0x8;
	[sflag:s28] =	ssyncadd.s32 $0xFFFFC000  }
0x34: {  	_ =	swait.ge [sflag:s29], $0x4000  }
0x35: {  	s30 =	sadd.s32 $0xFFFFFFFF, s30;
	[sflag:s29] =	ssyncset.done $0x0  }
.LBB2_1:
0x36: {  	p0 =	sne.s32 s30, $0x1;
	s30 =	sadd.s32 $0xFFFFFFFF, s30;
	[sflag:s29] =	ssyncadd.s32 $0xFFFFC000  }
0x37: {  	[tilespmem:s4], [sflag:$0x9] =	stream.linear.gather [hbm4b:s5+s4], $0x80, $0x38;
	[tilespmem:$0x10200] =	vst v63  }
0x38: {  	_ = 	snop  }
0x39: {  	[tilespmem:s7], [sflag:$0x9] =	stream.linear.gather [hbm4b:s6+s4], $0x80, $0x38;
	[tilespmem:$0x10200] =	vst v63  }
0x3a: {  	_ =	swait.ge [sflag:s8], $0x100  }
0x3b: {  	[sflag:s8] =	ssyncset.done $0x0  }
0x3c: {  	[sflag:s8] =	ssyncadd.s32 $0xFFFFFF00  }
0x3d: {  	[tilespmem:s10], [sflag:$0x9] =	stream.linear.gather [hbm4b:s9+s4], $0x80, $0x38;
	[tilespmem:$0x10200] =	vst v63  }
0x3e: {  	_ = 	snop  }
0x3f: {  	[tilespmem:s12], [sflag:$0x9] =	stream.linear.gather [hbm4b:s11+s4], $0x80, $0x38;
	[tilespmem:$0x10200] =	vst v63  }
0x40: {  	_ =	swait.ge [sflag:s8], $0x100  }
0x41: {  	[sflag:s8] =	ssyncset.done $0x0  }
0x42: {  	[sflag:s8] =	ssyncadd.s32 $0xFFFFFF00  }
0x43: {  	[tilespmem:s13], [sflag:$0x1] =	stream.indirect.gather [hbm4b:s2+s10], $0x80, s4, s10, $0xb8;
	[tilespmem:$0x10200] =	vst v63  }
0x44: {  	_ = 	snop  }
0x45: {  	[tilespmem:s14], [sflag:$0x2] =	stream.indirect.gather [hbm4b:s2+s10], $0x80, s7, s10, $0xb8;
	[tilespmem:$0x10200] =	vst v63  }
0x46: {  	_ = 	snop  }
0x47: {  	[tilespmem:s15], [sflag:$0x3] =	stream.indirect.gather [hbm4b:s3+s10], $0x80, s10, s10, $0xb8;
	[tilespmem:$0x10200] =	vst v63  }
0x48: {  	_ = 	snop  }
0x49: {  	[tilespmem:s16], [sflag:$0x4] =	stream.indirect.gather [hbm4b:s3+s10], $0x80, s12, s10, $0xb8;
	[tilespmem:$0x10200] =	vst v63  }
0x4a: {  	_ =	swait.ge [sflag:s17], $0x4000  }
0x4b: {  	[sflag:s17] =	ssyncset.done $0x0  }
0x4c: {  	[sflag:s17] =	ssyncadd.s32 $0xFFFFC000  }
0x4d: {  	[hbm4b:s18+s4] =	stream.linear.scatter [tilespmem:s13], [sflag:$0x5], $0x4000, $0x38;
	[tilespmem:$0x10200] =	vst v63  }
0x4e: {  	_ =	swait.ge [sflag:s19], $0x4000  }
0x4f: {  	[sflag:s19] =	ssyncset.done $0x0  }
0x50: {  	[sflag:s19] =	ssyncadd.s32 $0xFFFFC000  }
0x51: {  	[hbm4b:s20+s4] =	stream.linear.scatter [tilespmem:s14], [sflag:$0x6], $0x4000, $0x38;
	[tilespmem:$0x10200] =	vst v63  }
0x52: {  	_ =	swait.ge [sflag:s21], $0x4000  }
0x53: {  	[sflag:s21] =	ssyncset.done $0x0  }
0x54: {  	[sflag:s21] =	ssyncadd.s32 $0xFFFFC000  }
0x55: {  	[hbm4b:s22+s4] =	stream.linear.scatter [tilespmem:s15], [sflag:$0x7], $0x4000, $0x38;
	[tilespmem:$0x10200] =	vst v63  }
0x56: {  	_ =	swait.ge [sflag:s23], $0x4000  }
0x57: {  	[sflag:s23] =	ssyncset.done $0x0  }
0x58: {  	[sflag:s23] =	ssyncadd.s32 $0xFFFFC000  }
0x59: {  	[hbm4b:s24+s4] =	stream.linear.scatter [tilespmem:s16], [sflag:$0x8], $0x4000, $0x38;
	[tilespmem:$0x10200] =	vst v63  }
0x5a: {  	_ =	swait.ge [sflag:s25], $0x4000  }
0x5b: {  	[sflag:s25] =	ssyncset.done $0x0  }
0x5c: {  	[sflag:s25] =	ssyncadd.s32 $0xFFFFC000  }
0x5d: {  	_ =	swait.ge [sflag:s26], $0x4000  }
0x5e: {  	[sflag:s26] =	ssyncset.done $0x0  }
0x5f: {  	[sflag:s26] =	ssyncadd.s32 $0xFFFFC000  }
.Ltmp1:
0x60: {  	_ =	swait.ge [sflag:s28], $0x4000;
	(pc) =	sbr.rel @p0 .LBB2_1-.Ltmp1, $4  }
0x61: {  	[sflag:s28] =	ssyncset.done $0x0  }
0x62: {  	[sflag:s28] =	ssyncadd.s32 $0xFFFFC000  }
0x63: {  	_ =	swait.ge [sflag:s29], $0x4000  }
0x64: {  	[sflag:s29] =	ssyncset.done $0x0  }
.LBB2_2:
0x65: {  	[sflag:s29] =	ssyncadd.s32 $0xFFFFC000  }
0x66: {  	_ =	sfence.sel $0x180000  }
0x67: {  	[bflag:$0x0] =	sbarrier.arrive $0xFFFF  }
0x68: {  	p0 =	sne.s32 s0, $0x0;
	_ =	strace $0x90000047  }
0x69: {  	s0 =	sadd.s32 @!p0 $0x100000, s1;
	[bflag:$0x2] =	sbarrier.arrive $0xFFFF  }
0x6a: {  	[sflag:s0] =	ssyncadd.tile.s32 @!p0 $0x1;
	_ =	shalt  }
.Lfunc_end2:
_tile_overlayer_lowered:
.L_overlay_start_2:
0x6b: {  	(tag) =	ssettag $0x2  }
0x6c: {  	s0 =	rddreg [dreg:$0x0];
	s2 =	stileid.u32  }
0x6d: {  	s1 =	rddreg [dreg:$0x1];
	p0 =	sne.s32 s2, $0x0  }
0x6e: {  	s3 =	rddreg [dreg:$0x2];
	[bflag:$0x3] =	sbarrier.arrive $0xFFFF;
	s2 =	simm.s32 @!p0 $0x1C09  }
0x6f: {  	[timem:s3], [sflag:s2] =	dma.local @!p0 [hbm:s0], s1  }
0x70: {  	s0 =	simm.s32 @!p0 $0x9  }
0x71: {  	_ =	swait.ge @!p0 [sflag:s0], s1  }
0x72: {  	s1 =	ssub.s32 @!p0 $0x0, s1;
	[sflag:s0] =	ssyncset.done @!p0 $0x0  }
0x73: {  	[sflag:s0] =	ssyncadd.s32 @!p0 s1  }
0x74: {  	[bflag:$0x3] =	sbarrier.arrive $0xFFFF  }
0x75: {  	_ =	shalt  }

// kernel: kernel.9.cloned.1.call-start
scs
__scs_entry_jumppad:
0x0: {  	(pc) =	sbr.rel $0x88, $3  }
0x1: {  	(tag) =	ssettag $0x0;
	lr =	simm.s32 $0x1  }
0x2: {  	[smem:$0x3F97] =	sst lr;
	_ =	strace $0xD0000000  }
0x3: {  	_ = 	snop  }
0x4: {  	_ = 	snop  }
0x5: {  	_ = 	snop  }
0x6: {  	_ = 	snop  }
0x7: {  	_ = 	snop  }
__scs_overlays_trampoline_lowered:
0x8: {  	[smem:$0x3FA6] =	sst s0  }
0x9: {  	[smem:$0x3FA7] =	sst s1  }
0xa: {  	[smem:$0x3FA8] =	sst s2  }
0xb: {  	[smem:$0x3FA9] =	sst s3  }
0xc: {  	[smem:$0x3FAA] =	sst s4  }
0xd: {  	[smem:$0x3FAB] =	sst s5  }
0xe: {  	[smem:$0x3FAC] =	sst s6  }
0xf: {  	[smem:$0x3FAD] =	sst s7  }
0x10: {  	[smem:$0x3FAE] =	sst s8  }
0x11: {  	[smem:$0x3FAF] =	sst s9;
	s0 =	simm.s32 @!p0 $0x0  }
0x12: {  	s1 =	sld [smem:$0x3F95];
	s0 =	simm.s32 @p0 $0x1  }
0x13: {  	[smem:$0x3FB0] =	sst s0;
	s0 =	simm.s32 @!p1 $0x0  }
0x14: {  	s2 =	sld [smem:$0x3F94];
	s0 =	simm.s32 @p1 $0x1  }
0x15: {  	[smem:$0x3FB1] =	sst s0;
	s0 =	simm.s32 @!p2 $0x0  }
0x16: {  	s3 =	sld [smem:$0x3FDB];
	s0 =	simm.s32 @p2 $0x1  }
0x17: {  	s4 =	simm.s32 $0x1BF5;
	[smem:$0x3FB3] =	sst s0  }
0x18: {  	s0 =	sld [smem:$0x3F96];
	_ =	swait.ge [sflag:s4], $0x0  }
0x19: {  	s7 =	sld [smem:$0x3F97]  }
0x1a: {  	s8 =	sadd.s32 $0xFFFFE003, lr  }
0x1b: {  	s9 =	sadd.s32 $0xFFFFFEF7, lr;
	s5 =	simm.s32 $0xFFFFFFFF;
	p2 =	slt.u32 s8, $0xFFFFF086  }
0x1c: {  	p1 =	slt.u32 s9, $0xF7A;
	s5 =	simm.s32 @!p2 $0x0  }
0x1d: {  	s5 =	simm.s32 @p1 $0x1;
	p0 =	seq.s32 s7, s2  }
0x1e: {  	s7 =	smul.u32 @!p0 $0xF7A, s2;
	p2 =	seq.s32 @!p0 s5, $0x0  }
0x1f: {  	s9 =	smul.u32 $0xF7A, s1;
	s8 =	simm.s32 @!p0 $0x1BF5;
	p2 =	por !p2, p0  }
0x20: {  	[sflag:s8] =	ssyncset.s32 @!p0 $0xFFFFF086;
	s6 =	sadd.s32 @!p0 s3, s7;
	s7 =	simm.s32 @!p0 $0x108  }
0x21: {  	s3 =	sadd.s32 s3, s9;
	s6 =	sadd.s32 @!p0 $0x88, s6;
	s7 =	simm.s32 @p2 $0x1082  }
0x22: {  	[simem:s7], [sflag:s8] =	dma.local @!p0 [hbm:s6], $0xF7A  }
0x23: {  	s9 =	sor.u32 $0xD0000000, s2;
	s6 =	simm.s32 $0x108;
	_ =	swait.ge @!p0 [sflag:s8], $0x0  }
0x24: {  	s3 =	sadd.s32 $0x88, s3;
	s6 =	simm.s32 @!p1 $0x1082;
	[sflag:s4] =	ssyncset.s32 $0xFFFFF086  }
0x25: {  	[simem:s6], [sflag:s4] =	dma.local [hbm:s3], $0xF7A  }
0x26: {  	[smem:$0x3F97] =	sst s1;
	(tag) =	ssettag s2;
	_ =	strace s9  }
0x27: {  	s1 =	sld [smem:$0x3FA7]  }
0x28: {  	s2 =	sld [smem:$0x3FA8]  }
0x29: {  	s4 =	sld [smem:$0x3FAA]  }
0x2a: {  	p0 =	seq.s32 s5, $0x0;
	s5 =	sld [smem:$0x3FAB]  }
0x2b: {  	s6 =	sld [smem:$0x3FAC]  }
0x2c: {  	s7 =	sld [smem:$0x3FAD]  }
0x2d: {  	s3 =	simm.s32 $0x108;
	s8 =	sld [smem:$0x3FAE]  }
0x2e: {  	s3 =	simm.s32 @!p0 $0x1082;
	s9 =	sld [smem:$0x3FAF]  }
0x2f: {  	lr =	sadd.s32 s0, s3;
	s0 =	sld [smem:$0x3FA6]  }
0x30: {  	s3 =	sld [smem:$0x3FA9]  }
0x31: {  	[smem:$0x3FB2] =	sst s10  }
0x32: {  	s10 =	sld [smem:$0x3FB0];
	_ =	sdelay $0x3  }
0x33: {  	p0 =	seq.s32 s10, $0x1;
	s10 =	sld [smem:$0x3FB2];
	_ =	sdelay $0x3  }
0x34: {  	[smem:$0x3FB2] =	sst s10  }
0x35: {  	s10 =	sld [smem:$0x3FB1];
	_ =	sdelay $0x3  }
0x36: {  	p1 =	seq.s32 s10, $0x1;
	s10 =	sld [smem:$0x3FB2];
	_ =	sdelay $0x3  }
0x37: {  	[smem:$0x3FB2] =	sst s10  }
0x38: {  	s10 =	sld [smem:$0x3FB3]  }
0x39: {  	_ = 	snop;
	(pc) =	sbr.ind lr, $3  }
0x3a: {  	_ = 	snop  }
0x3b: {  	_ = 	snop  }
0x3c: {  	p2 =	seq.s32 s10, $0x1;
	s10 =	sld [smem:$0x3FB2]  }
0x3d: {  	_ =	shalt  }
0x3e: {  	_ =	shalt  }
0x3f: {  	_ =	shalt  }
0x40: {  	_ =	shalt  }
0x41: {  	_ =	shalt  }
0x42: {  	_ =	shalt  }
0x43: {  	_ =	shalt  }
0x44: {  	_ =	shalt  }
0x45: {  	_ =	shalt  }
0x46: {  	_ =	shalt  }
0x47: {  	_ =	shalt  }
0x48: {  	_ =	shalt  }
0x49: {  	_ =	shalt  }
0x4a: {  	_ =	shalt  }
0x4b: {  	_ =	shalt  }
0x4c: {  	_ =	shalt  }
0x4d: {  	_ =	shalt  }
0x4e: {  	_ =	shalt  }
0x4f: {  	_ =	shalt  }
0x50: {  	_ =	shalt  }
0x51: {  	_ =	shalt  }
0x52: {  	_ =	shalt  }
0x53: {  	_ =	shalt  }
0x54: {  	_ =	shalt  }
0x55: {  	_ =	shalt  }
0x56: {  	_ =	shalt  }
0x57: {  	_ =	shalt  }
0x58: {  	_ =	shalt  }
0x59: {  	_ =	shalt  }
0x5a: {  	_ =	shalt  }
0x5b: {  	_ =	shalt  }
0x5c: {  	_ =	shalt  }
0x5d: {  	_ =	shalt  }
0x5e: {  	_ =	shalt  }
0x5f: {  	_ =	shalt  }
0x60: {  	_ =	shalt  }
0x61: {  	_ =	shalt  }
0x62: {  	_ =	shalt  }
0x63: {  	_ =	shalt  }
0x64: {  	_ =	shalt  }
0x65: {  	_ =	shalt  }
0x66: {  	_ =	shalt  }
0x67: {  	_ =	shalt  }
0x68: {  	_ =	shalt  }
0x69: {  	_ =	shalt  }
0x6a: {  	_ =	shalt  }
0x6b: {  	_ =	shalt  }
0x6c: {  	_ =	shalt  }
0x6d: {  	_ =	shalt  }
0x6e: {  	_ =	shalt  }
0x6f: {  	_ =	shalt  }
0x70: {  	_ =	shalt  }
0x71: {  	_ =	shalt  }
0x72: {  	_ =	shalt  }
0x73: {  	_ =	shalt  }
0x74: {  	_ =	shalt  }
0x75: {  	_ =	shalt  }
0x76: {  	_ =	shalt  }
0x77: {  	_ =	shalt  }
0x78: {  	_ =	shalt  }
0x79: {  	_ =	shalt  }
0x7a: {  	_ =	shalt  }
0x7b: {  	_ =	shalt  }
0x7c: {  	_ =	shalt  }
0x7d: {  	_ =	shalt  }
0x7e: {  	_ =	shalt  }
0x7f: {  	_ =	shalt  }
0x80: {  	_ =	shalt  }
0x81: {  	_ =	shalt  }
0x82: {  	_ =	shalt  }
0x83: {  	_ =	shalt  }
0x84: {  	_ =	shalt  }
0x85: {  	_ =	shalt  }
0x86: {  	_ =	shalt  }
0x87: {  	_ =	shalt  }
.Lfunc_end0:
.L_simem_size_0:
called_computation.1_lowered:
.L_overlay_start_0:
0x88: {  	s2 =	sld [smem:$0x3FD9]  }
0x89: {  	s3 =	sld [smem:$0x3FFE];
	_ =	sdelay $0x1  }
0x8a: {  	s1 =	srdreg.scid  }
0x8b: {  	s0 =	sand.u32 $0x1, s1  }
0x8c: {  	s17 =	sshll.u32 s0, $0xA;
	s2 =	sadd.s32 s3, s2  }
0x8d: {  	s2 =	sadd.s32 s2, s17  }
0x8e: {  	[smem:$0x3FBE] =	sst s2  }
0x8f: {  	_ = 	snop  }
0x90: {  	s18 =	sld [smem:$0x3FC7]  }
0x91: {  	s4 =	sld [smem:$0x3FC6];
	(tm) =	ssettm $0x1  }
0x92: {  	s19 =	sld [smem:$0x3FFB];
	_ =	sdelay $0x3  }
0x93: {  	_ =	strace s19  }
0x94: {  	s2 =	sld [smem:$0x3FFC];
	_ =	sdelay $0x3  }
0x95: {  	_ =	strace s2  }
0x96: {  	s2 =	sld [smem:$0x3FFD];
	_ =	sdelay $0x3  }
0x97: {  	_ =	strace s2  }
0x98: {  	_ =	strace $0x8FFFFFFF  }
0x99: {  	s20 =	sld [smem:$0x3FDB];
	_ =	sdelay $0x1  }
0x9a: {  	s5 =	simm.s32 $_scs_section_size  }
0x9b: {  	s6 =	simm.s32 $_size__tile_overlayer_lowered;
	s7 =	simm.s32 $_tile_overlayer_lowered  }
0x9c: {  	s8 =	simm.s32 $0x1BFF;
	s21 =	sshll.u32 s7, $0x1;
	s5 =	sadd.s32 s5, s20  }
0x9d: {  	s22 =	simm.s32 $0x0;
	s6 =	sshll.u32 s6, $0x1;
	s7 =	sadd.s32 s21, s5  }
0x9e: {  	[timem:s22], [sflag:s8] =	dma.local [hbm:s7], s6  }
0x9f: {  	_ =	swait.ge [sflag:s8], s6  }
0xa0: {  	s6 =	ssub.s32 $0x0, s6;
	[sflag:s8] =	ssyncset.done $0x0  }
0xa1: {  	[sflag:s8] =	ssyncadd.s32 s6;
	_ =	sdelay $0x1  }
0xa2: {  	s23 =	simm.s32 $0x1B8B  }
0xa3: {  	_ =	swait.ge [sflag:s23], $0x1  }
0xa4: {  	[sflag:s23] =	ssyncset.done $0x0  }
0xa5: {  	[sflag:s23] =	ssyncadd.s32 $0xFFFFFFFF  }
0xa6: {  	s6 =	sld [smem:$0x0]  }
0xa7: {  	s7 =	sand.u32 $0xFFFFFFFE, s1  }
0xa8: {  	p0 =	sne.s32 s1, s7  }
0xa9: {  	s7 =	sshll.u32 @p0 s7, $0xE  }
0xaa: {  	s7 =	sadd.s32 @p0 $0x11B8D, s7;
	s8 =	sshll.u32 @p0 s6, $0x11  }
0xab: {  	s7 =	sor.u32 @p0 s8, s7  }
0xac: {  	[sflag:s7] =	ssyncadd.remote.s32 @p0 $0x1;
	_ =	sdelay $0x1  }
0xad: {  	s7 =	simm.s32 @p0 $0x1B8D  }
0xae: {  	_ =	swait.eq @p0 [sflag:s7], $0x1  }
0xaf: {  	[sflag:s7] =	ssyncadd.s32 @p0 $0xFFFFFFFF  }
0xb0: {  	s8 =	sshll.u32 @!p0 s1, $0xE  }
0xb1: {  	s8 =	sor.u32 @!p0 $0x4000, s8;
	s7 =	simm.s32 @!p0 $0x1B8D  }
0xb2: {  	s6 =	sshll.u32 @!p0 s6, $0x11;
	s8 =	sadd.s32 @!p0 $0x11B8D, s8;
	_ =	swait.eq @!p0 [sflag:s7], $0x1  }
0xb3: {  	s6 =	sor.u32 @!p0 s6, s8;
	[sflag:s7] =	ssyncadd.s32 @!p0 $0xFFFFFFFF  }
0xb4: {  	s25 =	simm.s32 $0x1B8E;
	s24 =	sld [smem:$0x3FFE];
	[sflag:s6] =	ssyncadd.remote.s32 @!p0 $0x1  }
0xb5: {  	s26 =	simm.s32 $execute0_lowered;
	[smem:$0x3FD2] =	sst s25  }
0xb6: {  	s7 =	sshll.u32 s26, $0x1;
	_ =	strace $0x80000049;
	[dreg:$0x1] =	wrdreg $0xFFFFFFFF  }
0xb7: {  	s28 =	simm.s32 $_size_execute0_lowered;
	s5 =	sadd.s32 s5, s7;
	[dreg:$0x0] =	wrdreg $0x0  }
0xb8: {  	s7 =	sshll.u32 s28, $0x1;
	[dreg:$0x2] =	wrdreg s5  }
0xb9: {  	[dreg:$0x3] =	wrdreg s7  }
0xba: {  	[dreg:$0x4] =	wrdreg $0xC0  }
0xbb: {  	_ =	task [dreg:s22], $0x5FFFF  }
0xbc: {  	[dreg:$0x1] =	wrdreg $0xFFFFFFFF  }
0xbd: {  	[dreg:$0x0] =	wrdreg $0x60  }
0xbe: {  	[dreg:$0x2] =	wrdreg s24  }
0xbf: {  	[dreg:$0x3] =	wrdreg s18  }
0xc0: {  	[dreg:$0x4] =	wrdreg s4  }
0xc1: {  	[dreg:$0x5] =	wrdreg $0xA  }
0xc2: {  	_ =	task.clear_ibuf [dreg:s22], $0x6FFFF;
	_ =	strace $0x90000049  }
0xc3: {  	s29 =	simm.s32 $0xA;
	_ =	strace $0x8000004B  }
0xc4: {  	_ =	swait.ge [sflag:s29], $0x1  }
0xc5: {  	[sflag:s29] =	ssyncadd.s32 $0xFFFFFFFF  }
0xc6: {  	_ =	strace $0x9000004B  }
0xc7: {  	_ =	sfence  }
0xc8: {  	s30 =	sld [smem:$0x0];
	_ =	sdelay $0x2  }
0xc9: {  	s31 =	sshll.u32 s1, $0xD;
	s1 =	sshrl.u32 s1, $0x2  }
0xca: {  	s4 =	sand.u32 $0x4000, s31;
	s1 =	sadd.s32 s1, s30  }
0xcb: {  	s0 =	sor.u32 s4, s0;
	s1 =	sshll.u32 s1, $0x11  }
0xcc: {  	s0 =	sor.u32 s1, s0  }
0xcd: {  	s0 =	sadd.s32 $0x8F2B, s0  }
0xce: {  	[sflag:s0] =	ssyncadd.remote.s32 $0x1  }
0xcf: {  	_ =	sfence.sel $0xFFFF  }
0xd0: {  	[dreg:$0x0] =	wrdreg $0xFFFFFFFF;
	(pc) =	sbr.abs _section_cstart, $3  }
0xd1: {  	[dreg:$0x1] =	wrdreg $0xFFFFFFFF  }
0xd2: {  	_ =	task.clear_ibuf [dreg:s22], $0x2FFFF;
	_ =	strace $0x9FFFFFFF  }
0xd3: {  	(tm) =	ssettm $0x7FFFFFFF  }
tec
execute0_lowered:
.L_overlay_start_1:
0x0: {  	(tag) =	ssettag $0x1  }
0x1: {  	s1 =	srdreg.scid  }
0x2: {  	s0 =	stileid.u32;
	s28 =	sand.u32 $0x1, s1  }
0x3: {  	s22 =	rddreg [dreg:$0x0];
	s31 =	sshll.u32 s0, $0x9;
	s4 =	sshll.u32 s28, $0x8  }
0x4: {  	s2 =	rddreg [dreg:$0x1];
	s18 =	sor.u32 s4, s31  }
0x5: {  	s3 =	rddreg [dreg:$0x2];
	s4 =	simm.s32 $0x0;
	s5 =	sshrl.u32 s18, $0x3  }
0x6: {  	[smem:$0x7FF] =	sst s4;
	s9 =	sadd.s32 s5, s22  }
0x7: {  	s1 =	rddreg [dreg:$0x3];
	_ =	strace $0x8000004A;
	s5 =	sadd.s32 $0x2400, s9  }
0x8: {  	[tilespmem:s4], [sflag:$0x9] =	stream.linear.gather [hbm4b:s5+s4], $0x80, $0x38;
	[tilespmem:$0x10200] =	vst v63  }
0x9: {  	s7 =	simm.s32 $0x100;
	s8 =	simm.s32 $0x9;
	s6 =	sadd.s32 $0x2410, s9  }
0xa: {  	[tilespmem:s7], [sflag:$0x9] =	stream.linear.gather [hbm4b:s6+s4], $0x80, $0x38;
	[tilespmem:$0x10200] =	vst v63  }
0xb: {  	_ =	swait.ge [sflag:s8], $0x100  }
0xc: {  	[sflag:s8] =	ssyncset.done $0x0  }
0xd: {  	s10 =	simm.s32 $0x80;
	s9 =	sadd.s32 $0x2000, s9;
	[sflag:s8] =	ssyncadd.s32 $0xFFFFFF00  }
0xe: {  	[tilespmem:s10], [sflag:$0x9] =	stream.linear.gather [hbm4b:s9+s4], $0x80, $0x38;
	[tilespmem:$0x10200] =	vst v63  }
0xf: {  	s12 =	simm.s32 $0x180;
	s11 =	sadd.s32 $0x10, s9  }
0x10: {  	[tilespmem:s12], [sflag:$0x9] =	stream.linear.gather [hbm4b:s11+s4], $0x80, $0x38;
	[tilespmem:$0x10200] =	vst v63  }
0x11: {  	_ =	swait.ge [sflag:s8], $0x100  }
0x12: {  	[sflag:s8] =	ssyncset.done $0x0  }
0x13: {  	s13 =	simm.s32 $0x200;
	[sflag:s8] =	ssyncadd.s32 $0xFFFFFF00  }
0x14: {  	[tilespmem:s13], [sflag:$0x1] =	stream.indirect.gather [hbm4b:s2+s10], $0x80, s4, s10, $0xb8;
	[tilespmem:$0x10200] =	vst v63  }
0x15: {  	s14 =	simm.s32 $0x4200  }
0x16: {  	[tilespmem:s14], [sflag:$0x2] =	stream.indirect.gather [hbm4b:s2+s10], $0x80, s7, s10, $0xb8;
	[tilespmem:$0x10200] =	vst v63  }
0x17: {  	s15 =	simm.s32 $0x8200  }
0x18: {  	[tilespmem:s15], [sflag:$0x3] =	stream.indirect.gather [hbm4b:s3+s10], $0x80, s10, s10, $0xb8;
	[tilespmem:$0x10200] =	vst v63  }
0x19: {  	s16 =	simm.s32 $0xC200;
	s17 =	simm.s32 $0x1  }
0x1a: {  	[tilespmem:s16], [sflag:$0x4] =	stream.indirect.gather [hbm4b:s3+s10], $0x80, s12, s10, $0xb8;
	[tilespmem:$0x10200] =	vst v63  }
0x1b: {  	_ =	swait.ge [sflag:s17], $0x4000  }
0x1c: {  	s20 =	sadd.s32 $0x42800, s22;
	s23 =	sshll.u32 s18, $0x4;
	[sflag:s17] =	ssyncset.done $0x0  }
0x1d: {  	s19 =	simm.s32 $0x2;
	s18 =	sadd.s32 s20, s23;
	[sflag:s17] =	ssyncadd.s32 $0xFFFFC000  }
0x1e: {  	[hbm4b:s18+s4] =	stream.linear.scatter [tilespmem:s13], [sflag:$0x5], $0x4000, $0x38;
	[tilespmem:$0x10200] =	vst v63  }
0x1f: {  	_ =	swait.ge [sflag:s19], $0x4000  }
0x20: {  	s24 =	sor.u32 $0x800, s23;
	[sflag:s19] =	ssyncset.done $0x0  }
0x21: {  	s21 =	simm.s32 $0x3;
	s20 =	sadd.s32 s20, s24;
	[sflag:s19] =	ssyncadd.s32 $0xFFFFC000  }
0x22: {  	[hbm4b:s20+s4] =	stream.linear.scatter [tilespmem:s14], [sflag:$0x6], $0x4000, $0x38;
	[tilespmem:$0x10200] =	vst v63  }
0x23: {  	_ =	swait.ge [sflag:s21], $0x4000  }
0x24: {  	s25 =	sadd.s32 $0x62800, s22;
	[sflag:s21] =	ssyncset.done $0x0  }
0x25: {  	s22 =	sadd.s32 s25, s23;
	s23 =	simm.s32 $0x4;
	[sflag:s21] =	ssyncadd.s32 $0xFFFFC000  }
0x26: {  	[hbm4b:s22+s4] =	stream.linear.scatter [tilespmem:s15], [sflag:$0x7], $0x4000, $0x38;
	[tilespmem:$0x10200] =	vst v63  }
0x27: {  	_ =	swait.ge [sflag:s23], $0x4000  }
0x28: {  	[sflag:s23] =	ssyncset.done $0x0  }
0x29: {  	s24 =	sadd.s32 s25, s24;
	s25 =	simm.s32 $0x5;
	[sflag:s23] =	ssyncadd.s32 $0xFFFFC000  }
0x2a: {  	[hbm4b:s24+s4] =	stream.linear.scatter [tilespmem:s16], [sflag:$0x8], $0x4000, $0x38;
	[tilespmem:$0x10200] =	vst v63  }
0x2b: {  	_ =	swait.ge [sflag:s25], $0x4000  }
0x2c: {  	s29 =	ssub.s32 $0x2, s28;
	[sflag:s25] =	ssyncset.done $0x0  }
0x2d: {  	s26 =	simm.s32 $0x6;
	s30 =	sshrl.u32 s29, $0x1;
	[sflag:s25] =	ssyncadd.s32 $0xFFFFC000  }
0x2e: {  	s29 =	ssub.s32 s29, s30;
	_ =	swait.ge [sflag:s26], $0x4000  }
0x2f: {  	s30 =	smax.u32 s29, $0x1;
	[sflag:s26] =	ssyncset.done $0x0  }
0x30: {  	s28 =	simm.s32 $0x7;
	p0 =	sne.s32 s30, $0x1;
	[sflag:s26] =	ssyncadd.s32 $0xFFFFC000  }
.Ltmp0:
0x31: {  	_ =	swait.ge [sflag:s28], $0x4000;
	(pc) =	sbr.rel @!p0 .LBB2_2-.Ltmp0, $4  }
0x32: {  	[sflag:s28] =	ssyncset.done $0x0  }
0x33: {  	s29 =	simm.s32 $0x8;
	[sflag:s28] =	ssyncadd.s32 $0xFFFFC000  }
0x34: {  	_ =	swait.ge [sflag:s29], $0x4000  }
0x35: {  	s30 =	sadd.s32 $0xFFFFFFFF, s30;
	[sflag:s29] =	ssyncset.done $0x0  }
.LBB2_1:
0x36: {  	p0 =	sne.s32 s30, $0x1;
	s30 =	sadd.s32 $0xFFFFFFFF, s30;
	[sflag:s29] =	ssyncadd.s32 $0xFFFFC000  }
0x37: {  	[tilespmem:s4], [sflag:$0x9] =	stream.linear.gather [hbm4b:s5+s4], $0x80, $0x38;
	[tilespmem:$0x10200] =	vst v63  }
0x38: {  	_ = 	snop  }
0x39: {  	[tilespmem:s7], [sflag:$0x9] =	stream.linear.gather [hbm4b:s6+s4], $0x80, $0x38;
	[tilespmem:$0x10200] =	vst v63  }
0x3a: {  	_ =	swait.ge [sflag:s8], $0x100  }
0x3b: {  	[sflag:s8] =	ssyncset.done $0x0  }
0x3c: {  	[sflag:s8] =	ssyncadd.s32 $0xFFFFFF00  }
0x3d: {  	[tilespmem:s10], [sflag:$0x9] =	stream.linear.gather [hbm4b:s9+s4], $0x80, $0x38;
	[tilespmem:$0x10200] =	vst v63  }
0x3e: {  	_ = 	snop  }
0x3f: {  	[tilespmem:s12], [sflag:$0x9] =	stream.linear.gather [hbm4b:s11+s4], $0x80, $0x38;
	[tilespmem:$0x10200] =	vst v63  }
0x40: {  	_ =	swait.ge [sflag:s8], $0x100  }
0x41: {  	[sflag:s8] =	ssyncset.done $0x0  }
0x42: {  	[sflag:s8] =	ssyncadd.s32 $0xFFFFFF00  }
0x43: {  	[tilespmem:s13], [sflag:$0x1] =	stream.indirect.gather [hbm4b:s2+s10], $0x80, s4, s10, $0xb8;
	[tilespmem:$0x10200] =	vst v63  }
0x44: {  	_ = 	snop  }
0x45: {  	[tilespmem:s14], [sflag:$0x2] =	stream.indirect.gather [hbm4b:s2+s10], $0x80, s7, s10, $0xb8;
	[tilespmem:$0x10200] =	vst v63  }
0x46: {  	_ = 	snop  }
0x47: {  	[tilespmem:s15], [sflag:$0x3] =	stream.indirect.gather [hbm4b:s3+s10], $0x80, s10, s10, $0xb8;
	[tilespmem:$0x10200] =	vst v63  }
0x48: {  	_ = 	snop  }
0x49: {  	[tilespmem:s16], [sflag:$0x4] =	stream.indirect.gather [hbm4b:s3+s10], $0x80, s12, s10, $0xb8;
	[tilespmem:$0x10200] =	vst v63  }
0x4a: {  	_ =	swait.ge [sflag:s17], $0x4000  }
0x4b: {  	[sflag:s17] =	ssyncset.done $0x0  }
0x4c: {  	[sflag:s17] =	ssyncadd.s32 $0xFFFFC000  }
0x4d: {  	[hbm4b:s18+s4] =	stream.linear.scatter [tilespmem:s13], [sflag:$0x5], $0x4000, $0x38;
	[tilespmem:$0x10200] =	vst v63  }
0x4e: {  	_ =	swait.ge [sflag:s19], $0x4000  }
0x4f: {  	[sflag:s19] =	ssyncset.done $0x0  }
0x50: {  	[sflag:s19] =	ssyncadd.s32 $0xFFFFC000  }
0x51: {  	[hbm4b:s20+s4] =	stream.linear.scatter [tilespmem:s14], [sflag:$0x6], $0x4000, $0x38;
	[tilespmem:$0x10200] =	vst v63  }
0x52: {  	_ =	swait.ge [sflag:s21], $0x4000  }
0x53: {  	[sflag:s21] =	ssyncset.done $0x0  }
0x54: {  	[sflag:s21] =	ssyncadd.s32 $0xFFFFC000  }
0x55: {  	[hbm4b:s22+s4] =	stream.linear.scatter [tilespmem:s15], [sflag:$0x7], $0x4000, $0x38;
	[tilespmem:$0x10200] =	vst v63  }
0x56: {  	_ =	swait.ge [sflag:s23], $0x4000  }
0x57: {  	[sflag:s23] =	ssyncset.done $0x0  }
0x58: {  	[sflag:s23] =	ssyncadd.s32 $0xFFFFC000  }
0x59: {  	[hbm4b:s24+s4] =	stream.linear.scatter [tilespmem:s16], [sflag:$0x8], $0x4000, $0x38;
	[tilespmem:$0x10200] =	vst v63  }
0x5a: {  	_ =	swait.ge [sflag:s25], $0x4000  }
0x5b: {  	[sflag:s25] =	ssyncset.done $0x0  }
0x5c: {  	[sflag:s25] =	ssyncadd.s32 $0xFFFFC000  }
0x5d: {  	_ =	swait.ge [sflag:s26], $0x4000  }
0x5e: {  	[sflag:s26] =	ssyncset.done $0x0  }
0x5f: {  	[sflag:s26] =	ssyncadd.s32 $0xFFFFC000  }
.Ltmp1:
0x60: {  	_ =	swait.ge [sflag:s28], $0x4000;
	(pc) =	sbr.rel @p0 .LBB2_1-.Ltmp1, $4  }
0x61: {  	[sflag:s28] =	ssyncset.done $0x0  }
0x62: {  	[sflag:s28] =	ssyncadd.s32 $0xFFFFC000  }
0x63: {  	_ =	swait.ge [sflag:s29], $0x4000  }
0x64: {  	[sflag:s29] =	ssyncset.done $0x0  }
.LBB2_2:
0x65: {  	[sflag:s29] =	ssyncadd.s32 $0xFFFFC000  }
0x66: {  	_ =	sfence.sel $0x180000  }
0x67: {  	[bflag:$0x0] =	sbarrier.arrive $0xFFFF  }
0x68: {  	p0 =	sne.s32 s0, $0x0;
	_ =	strace $0x9000004A  }
0x69: {  	s0 =	sadd.s32 @!p0 $0x100000, s1;
	[bflag:$0x2] =	sbarrier.arrive $0xFFFF  }
0x6a: {  	[sflag:s0] =	ssyncadd.tile.s32 @!p0 $0x1;
	_ =	shalt  }
.Lfunc_end2:
_tile_overlayer_lowered:
.L_overlay_start_2:
0x6b: {  	(tag) =	ssettag $0x2  }
0x6c: {  	s0 =	rddreg [dreg:$0x0];
	s2 =	stileid.u32  }
0x6d: {  	s1 =	rddreg [dreg:$0x1];
	p0 =	sne.s32 s2, $0x0  }
0x6e: {  	s3 =	rddreg [dreg:$0x2];
	[bflag:$0x3] =	sbarrier.arrive $0xFFFF;
	s2 =	simm.s32 @!p0 $0x1C09  }
0x6f: {  	[timem:s3], [sflag:s2] =	dma.local @!p0 [hbm:s0], s1  }
0x70: {  	s0 =	simm.s32 @!p0 $0x9  }
0x71: {  	_ =	swait.ge @!p0 [sflag:s0], s1  }
0x72: {  	s1 =	ssub.s32 @!p0 $0x0, s1;
	[sflag:s0] =	ssyncset.done @!p0 $0x0  }
0x73: {  	[sflag:s0] =	ssyncadd.s32 @!p0 s1  }
0x74: {  	[bflag:$0x3] =	sbarrier.arrive $0xFFFF  }
0x75: {  	_ =	shalt  }

</sc_bundles>
